<compile_context>
chip_gen: v7x
topology: tpu7x:2x2x1
jax: 0.10.2.dev20260603
libtpu: 0.0.44.dev20260713+nightly
codegen_flags: <defaults>
</compile_context>

<pallas_src>
import jax
import jax.numpy as jnp
from jax import lax
from jax.experimental import pallas as pl
from jax.experimental.pallas import tpu as pltpu
from jax.experimental.pallas import tpu_sc as plsc

T = 2048
D = 768
H = 2048
HS = 1024
E = 8
K = 2
BM = 256
NBLK = T * K // BM + E
NROWS = NBLK * BM


def _dot(a, b):
    return lax.dot_general(a, b, (((1,), (0,)), ((), ())),
                           preferred_element_type=jnp.float32)


def _dot_t(a, b):
    return lax.dot_general(a, b, (((1,), (1,)), ((), ())),
                           preferred_element_type=jnp.float32)


def _silu(v):
    return v / (1.0 + jnp.exp(-v))


def _gating_kernel(x_ref, gw_ref, p1_ref, p2_ref, w1_ref, w2_ref, be_ref,
                   act_ref, rp_ref, nxe_ref, oh_s, incl_s):
    xf = x_ref[...]
    logits = _dot_t(xf, gw_ref[...])
    m = jnp.max(logits, axis=1, keepdims=True)
    ex = jnp.exp(logits - m)
    probs = ex / jnp.sum(ex, axis=1, keepdims=True)

    eiota = lax.broadcasted_iota(jnp.int32, (T, E), 1)
    m1 = jnp.max(probs, axis=1, keepdims=True)
    i1 = jnp.min(jnp.where(probs == m1, eiota, E), axis=1, keepdims=True)
    mask1 = eiota == i1
    probs2 = jnp.where(mask1, -1.0, probs)
    m2 = jnp.max(probs2, axis=1, keepdims=True)
    i2 = jnp.min(jnp.where(probs2 == m2, eiota, E), axis=1, keepdims=True)
    mask2 = eiota == i2

    oh = mask1.astype(jnp.float32) + mask2.astype(jnp.float32)

    nb = T // BM
    r = lax.broadcasted_iota(jnp.int32, (BM, BM), 0)
    c = lax.broadcasted_iota(jnp.int32, (BM, BM), 1)
    tri = (r >= c).astype(jnp.float32)

    oh_s[...] = oh

    def body(i, acc):
        blk = oh_s[pl.ds(i * BM, BM), :]
        s = _dot(tri, blk) + acc
        incl_s[pl.ds(i * BM, BM), :] = s
        return jnp.max(s, axis=0, keepdims=True)

    acc0 = jnp.zeros((1, E), jnp.float32)
    counts = lax.fori_loop(0, nb, body, acc0)
    excl = incl_s[...] - oh

    nblocks = jnp.ceil(counts / BM)
    e8r = lax.broadcasted_iota(jnp.int32, (E, E), 0)
    e8c = lax.broadcasted_iota(jnp.int32, (E, E), 1)
    tri8_excl = (e8r < e8c).astype(jnp.float32)
    bstart = _dot(nblocks, tri8_excl)
    padstart = bstart * float(BM)

    rank1 = jnp.sum(jnp.where(mask1, excl, 0.0), axis=1, keepdims=True)
    rank2 = jnp.sum(jnp.where(mask2, excl, 0.0), axis=1, keepdims=True)
    ps1 = jnp.sum(jnp.where(mask1, padstart, 0.0), axis=1, keepdims=True)
    ps2 = jnp.sum(jnp.where(mask2, padstart, 0.0), axis=1, keepdims=True)
    p1_ref[...] = (ps1 + rank1).astype(jnp.int32)
    p2_ref[...] = (ps2 + rank2).astype(jnp.int32)
    w1_ref[...] = m1
    w2_ref[...] = m2

    bend = (bstart + nblocks).astype(jnp.int32)
    total = jnp.sum(nblocks).astype(jnp.int32)
    biota = lax.broadcasted_iota(jnp.int32, (E, NBLK), 1)
    ge = (biota >= bend.reshape(E, 1)).astype(jnp.int32)
    nfull = jnp.sum(ge, axis=0, keepdims=True)
    act_ref[...] = (nfull < E).astype(jnp.int32)

    bcl = jnp.minimum(biota, total - 1)
    be = jnp.sum((bcl >= bend.reshape(E, 1)).astype(jnp.int32), axis=0,
                 keepdims=True)
    be_ref[...] = be

    active_e = (nblocks > 0.0).astype(jnp.float32)
    runrank = _dot(active_e, (e8r < e8c).astype(jnp.float32)).astype(jnp.int32)
    eidx = lax.broadcasted_iota(jnp.int32, (E, 1), 0)
    cand = jnp.where((e8c > e8r) & (active_e.reshape(1, E) > 0.0), e8c, E)
    nxe_e = jnp.min(cand, axis=1, keepdims=True)
    nxe_e = jnp.where(nxe_e == E, eidx, nxe_e)
    bemask = (be == lax.broadcasted_iota(jnp.int32, (E, NBLK), 0))
    rp_ref[...] = jnp.sum(jnp.where(bemask, runrank.reshape(E, 1), 0),
                          axis=0, keepdims=True) % 2
    nxe_ref[...] = jnp.sum(jnp.where(bemask, nxe_e, 0), axis=0, keepdims=True)


def _run_gating(xf, gate_w):
    return pl.pallas_call(
        _gating_kernel,
        out_shape=(
            jax.ShapeDtypeStruct((T, 1), jnp.int32),
            jax.ShapeDtypeStruct((T, 1), jnp.int32),
            jax.ShapeDtypeStruct((T, 1), jnp.float32),
            jax.ShapeDtypeStruct((T, 1), jnp.float32),
            jax.ShapeDtypeStruct((1, NBLK), jnp.int32),
            jax.ShapeDtypeStruct((1, NBLK), jnp.int32),
            jax.ShapeDtypeStruct((1, NBLK), jnp.int32),
            jax.ShapeDtypeStruct((1, NBLK), jnp.int32),
        ),
        scratch_shapes=[
            pltpu.VMEM((T, E), jnp.float32),
            pltpu.VMEM((T, E), jnp.float32),
        ],
    )(xf, gate_w)


def _expert_kernel(be_ref, act_ref, rp_ref, nxe_ref,
                   xg_ref, w1_hbm, w3_hbm, w2_hbm, out_ref,
                   wb1, wb3, wb2, sems):
    b = pl.program_id(0)
    e = be_ref[b]
    slot = rp_ref[b]
    nxt = nxe_ref[b]

    def _weight_dma(expert, dst_slot):
        return (
            pltpu.make_async_copy(w1_hbm.at[expert], wb1.at[dst_slot],
                                  sems.at[dst_slot, 0]),
            pltpu.make_async_copy(w3_hbm.at[expert], wb3.at[dst_slot],
                                  sems.at[dst_slot, 1]),
            pltpu.make_async_copy(w2_hbm.at[expert], wb2.at[dst_slot],
                                  sems.at[dst_slot, 2]),
        )

    @pl.when(b == 0)
    def _():
        for c in _weight_dma(e, slot):
            c.start()
        for c in _weight_dma(e, slot):
            c.wait()

    run_start = jnp.logical_and(b > 0, be_ref[jnp.maximum(b - 1, 0)] != e)

    @pl.when(run_start)
    def _():
        for c in _weight_dma(e, slot):
            c.wait()

    @pl.when(jnp.logical_and(jnp.logical_or(b == 0, run_start), nxt != e))
    def _():
        for c in _weight_dma(nxt, 1 - slot):
            c.start()

    for s in (0, 1):
        @pl.when(jnp.logical_and(act_ref[b] > 0, slot == s))
        def _(s=s):
            xb = xg_ref[...]
            h1 = _dot_t(xb, wb1[s])
            h3 = _dot_t(xb, wb3[s])
            g = _silu(h1) * h3
            out_ref[...] = _dot_t(g, wb2[s])


def _run_experts(xg, W1, W3, W2, block_expert, block_active, block_rp,
                 block_nxe):
    grid_spec = pltpu.PrefetchScalarGridSpec(
        num_scalar_prefetch=4,
        grid=(NBLK,),
        in_specs=[
            pl.BlockSpec((BM, D), lambda b, *_: (b, 0)),
            pl.BlockSpec(memory_space=pl.ANY),
            pl.BlockSpec(memory_space=pl.ANY),
            pl.BlockSpec(memory_space=pl.ANY),
        ],
        out_specs=pl.BlockSpec((BM, D), lambda b, *_: (b, 0)),
        scratch_shapes=[
            pltpu.VMEM((2, H, D), jnp.float32),
            pltpu.VMEM((2, H, D), jnp.float32),
            pltpu.VMEM((2, D, H), jnp.float32),
            pltpu.SemaphoreType.DMA((2, 3)),
        ],
    )
    return pl.pallas_call(
        _expert_kernel,
        grid_spec=grid_spec,
        out_shape=jax.ShapeDtypeStruct((NROWS, D), jnp.float32),
        compiler_params=pltpu.CompilerParams(
            vmem_limit_bytes=100 * 1024 * 1024),
    )(block_expert, block_active, block_rp, block_nxe, xg, W1, W3, W2)


def _shared_kernel(x_ref, ws1_ref, ws3_ref, ws2_ref, out_ref):
    xb = x_ref[...]
    h1 = _dot_t(xb, ws1_ref[...])
    h3 = _dot_t(xb, ws3_ref[...])
    g = _silu(h1) * h3
    out_ref[...] = _dot_t(g, ws2_ref[...])


def _run_shared(xf, Ws1, Ws3, Ws2):
    BT = 512
    return pl.pallas_call(
        _shared_kernel,
        grid=(T // BT,),
        in_specs=[
            pl.BlockSpec((BT, D), lambda i: (i, 0)),
            pl.BlockSpec((HS, D), lambda i: (0, 0)),
            pl.BlockSpec((HS, D), lambda i: (0, 0)),
            pl.BlockSpec((D, HS), lambda i: (0, 0)),
        ],
        out_specs=pl.BlockSpec((BT, D), lambda i: (i, 0)),
        out_shape=jax.ShapeDtypeStruct((T, D), jnp.float32),
    )(xf, Ws1, Ws3, Ws2)


def _final_kernel(ys_ref, y1_ref, y2_ref, w1_ref, w2_ref, out_ref):
    out_ref[...] = (ys_ref[...] + w1_ref[...] * y1_ref[...]
                    + w2_ref[...] * y2_ref[...])


def _run_final(ys, y1, y2, w1, w2):
    BT = 512
    return pl.pallas_call(
        _final_kernel,
        grid=(T // BT,),
        in_specs=[
            pl.BlockSpec((BT, D), lambda i: (i, 0)),
            pl.BlockSpec((BT, D), lambda i: (i, 0)),
            pl.BlockSpec((BT, D), lambda i: (i, 0)),
            pl.BlockSpec((BT, 1), lambda i: (i, 0)),
            pl.BlockSpec((BT, 1), lambda i: (i, 0)),
        ],
        out_specs=pl.BlockSpec((BT, D), lambda i: (i, 0)),
        out_shape=jax.ShapeDtypeStruct((T, D), jnp.float32),
    )(ys, y1, y2, w1, w2)


_NC, _NS = 2, 16
_NW = _NC * _NS
_TPW = T // _NW

_SC_MESH = dict(core_axis_name="c", subcore_axis_name="s")


def _wid():
    return lax.axis_index("s") * _NC + lax.axis_index("c")


def _dispatch_body(xf_hbm, p1_hbm, p2_hbm, xg_hbm, idx_v, rows_v, sem):
    base = _wid() * _TPW
    pltpu.sync_copy(xf_hbm.at[pl.ds(base, _TPW)], rows_v)
    pltpu.sync_copy(p1_hbm.at[pl.ds(base, _TPW)], idx_v)
    pltpu.async_copy(rows_v, xg_hbm.at[idx_v], sem).wait()
    pltpu.sync_copy(p2_hbm.at[pl.ds(base, _TPW)], idx_v)
    pltpu.async_copy(rows_v, xg_hbm.at[idx_v], sem).wait()


def _run_dispatch(xf, p1, p2):
    return pl.kernel(
        _dispatch_body,
        out_type=jax.ShapeDtypeStruct((NROWS, D), jnp.float32),
        mesh=plsc.VectorSubcoreMesh(**_SC_MESH),
        scratch_types=[
            pltpu.VMEM((_TPW,), jnp.int32),
            pltpu.VMEM((_TPW, D), jnp.float32),
            pltpu.SemaphoreType.DMA,
        ],
    )(xf, p1, p2)


def _combine_body(yr_hbm, p1_hbm, p2_hbm, y1_hbm, y2_hbm, idx_v, rows_v, sem):
    base = _wid() * _TPW
    pltpu.sync_copy(p1_hbm.at[pl.ds(base, _TPW)], idx_v)
    pltpu.async_copy(yr_hbm.at[idx_v], rows_v, sem).wait()
    pltpu.sync_copy(rows_v, y1_hbm.at[pl.ds(base, _TPW)])
    pltpu.sync_copy(p2_hbm.at[pl.ds(base, _TPW)], idx_v)
    pltpu.async_copy(yr_hbm.at[idx_v], rows_v, sem).wait()
    pltpu.sync_copy(rows_v, y2_hbm.at[pl.ds(base, _TPW)])


def _run_combine(yr, p1, p2):
    return pl.kernel(
        _combine_body,
        out_type=(
            jax.ShapeDtypeStruct((T, D), jnp.float32),
            jax.ShapeDtypeStruct((T, D), jnp.float32),
        ),
        mesh=plsc.VectorSubcoreMesh(**_SC_MESH),
        scratch_types=[
            pltpu.VMEM((_TPW,), jnp.int32),
            pltpu.VMEM((_TPW, D), jnp.float32),
            pltpu.SemaphoreType.DMA,
        ],
    )(yr, p1, p2)


def kernel(x, gate_w, W1, W3, W2, Ws1, Ws3, Ws2):
    orig_shape = x.shape
    xf = x.reshape(-1, orig_shape[-1])

    p1, p2, w1, w2, be, act, rp, nxe = _run_gating(xf, gate_w)
    p1 = p1.reshape(T)
    p2 = p2.reshape(T)
    be = be.reshape(NBLK)
    act = act.reshape(NBLK)
    rp = rp.reshape(NBLK)
    nxe = nxe.reshape(NBLK)

    xg = _run_dispatch(xf, p1, p2)
    ys = _run_shared(xf, Ws1, Ws3, Ws2)
    yr = _run_experts(xg, W1, W3, W2, be, act, rp, nxe)
    y1, y2 = _run_combine(yr, p1, p2)
    y = _run_final(ys, y1, y2, w1, w2)
    return y.reshape(orig_shape)
    y1, y2 = _run_combine(yr, p1, p2)
    y = _run_shared(xf, Ws1, Ws3, Ws2, y1, y2, w1, w2)
    return y.reshape(orig_shape)

# --- scband reference (transcript-rebuilt; emitter-appended) ---
"""Pipeline reference for scband-moefeed-forward-swi-glu-53910429499973 (READ-ONLY COPY).

The authoritative reference and input builder live on the scoring server;
editing this copy changes nothing except your own understanding.
"""

import jax, jax.numpy as jnp
import numpy as np

B, S, DIM = 1, 2048, 768
HID = 2048
E = 8
K = 2


def _uniform(key, shape, bound):
    return jax.random.uniform(key, shape, jnp.float32, -bound, bound)


def setup_inputs(seed: int = 0) -> dict:
    key = jax.random.key(seed)
    ks = jax.random.split(key, 9)
    x = jax.random.normal(ks[0], (B, S, DIM), jnp.float32)
    # gate: kaiming_uniform(a=sqrt(5)) -> bound = 1/sqrt(fan_in)
    gate_w = _uniform(ks[1], (E, DIM), 1.0 / np.sqrt(DIM))
    # routed expert weights (nn.Linear convention: [out_features, in_features])
    W1 = _uniform(ks[2], (E, HID, DIM), 1.0 / np.sqrt(DIM))
    W3 = _uniform(ks[3], (E, HID, DIM), 1.0 / np.sqrt(DIM))
    W2 = _uniform(ks[4], (E, DIM, HID), 1.0 / np.sqrt(HID))
    # shared expert: FeedForwardSwiGLU(dim, hidden_dim // 2)
    HS = HID // 2
    Ws1 = _uniform(ks[5], (HS, DIM), 1.0 / np.sqrt(DIM))
    Ws3 = _uniform(ks[6], (HS, DIM), 1.0 / np.sqrt(DIM))
    Ws2 = _uniform(ks[7], (DIM, HS), 1.0 / np.sqrt(HS))
    return {"x": x, "gate_w": gate_w, "W1": W1, "W3": W3, "W2": W2,
            "Ws1": Ws1, "Ws3": Ws3, "Ws2": Ws2}


def _swiglu(x, w1, w3, w2):
    # FeedForwardSwiGLU: w2( silu(w1(x)) * w3(x) )
    return (jax.nn.silu(x @ w1.T) * (x @ w3.T)) @ w2.T


def reference(x, gate_w, W1, W3, W2, Ws1, Ws3, Ws2):
    orig_shape = x.shape
    xf = x.reshape(-1, orig_shape[-1])  # [T, D]
    T = xf.shape[0]
    # MoEGate: logits -> softmax -> top_k (npu_moe_gating_top_k_softmax)
    logits = xf @ gate_w.T                     # [T, E]
    probs = jax.nn.softmax(logits, axis=-1)
    topk_weight, topk_idx = jax.lax.top_k(probs, K)  # [T, K]
    # norm_topk_prob is False -> no renormalization
    # combine weights per (token, expert); each expert chosen at most once per token
    comb = jnp.zeros((T, E), xf.dtype).at[jnp.arange(T)[:, None], topk_idx].add(topk_weight)
    # moe_infer: routing + grouped matmuls, mathematically equal to masked dense dispatch
    y = jnp.zeros_like(xf)
    for e in range(E):
        h = jax.nn.silu(xf @ W1[e].T) * (xf @ W3[e].T)   # [T, HID]
        y = y + comb[:, e:e + 1] * (h @ W2[e].T)          # [T, D]
    y = y.reshape(orig_shape)
    # shared expert residual branch
    y = y + _swiglu(x, Ws1, Ws3, Ws2)
    return y


if False:  # reference __main__ guard neutralized (emitter)
    out = reference(**setup_inputs())
    print(out.shape, out.dtype)

if __name__ == "__main__":
    import jax
    _d = setup_inputs()
    print(jax.jit(kernel)(*tuple(_d.values())))

</pallas_src>

<mosaic_0001>
#map = affine_map<(d0, d1) -> (0, 0)>
#map1 = affine_map<(d0, d1) -> (0)>
module attributes {stable_mosaic.version = 14 : i64} {
  func.func @_dispatch_body(%arg0: i32, %arg1: i32, %arg2: memref<2048x768xf32, #tpu.memory_space<hbm>>, %arg3: memref<2048xi32, #tpu.memory_space<hbm>>, %arg4: memref<2048xi32, #tpu.memory_space<hbm>>, %arg5: memref<6144x768xf32, #tpu.memory_space<hbm>>, %arg6: memref<64xi32, #tpu.memory_space<vmem>>, %arg7: memref<64x768xf32, #tpu.memory_space<vmem>>, %arg8: memref<!tpu.dma_semaphore, #tpu.memory_space<semaphore_mem>>) attributes {dimension_semantics = [#tpu.dimension_semantics<core_parallel>, #tpu.dimension_semantics<subcore_parallel>], iteration_bounds = array<i64: 2, 16>, scalar_prefetch = 0 : i64, scratch_operands = 3 : i64, tpu.core_type = #tpu.core_type<sc_vector_subcore>, window_params = [{transform_indices = #map}, {transform_indices = #map1}, {transform_indices = #map1}, {transform_indices = #map}]} {
    %mul3A = arith.constant 2 : i32
    %mul3A_0 = arith.muli %arg1, %mul3A : i32
    %add3A = arith.addi %mul3A_0, %arg0 : i32
    %mul3A_1 = arith.constant 64 : i32
    %mul3A_2 = arith.muli %add3A, %mul3A_1 : i32
    "tpu.region"() ({
      %run_scoped3A = tpu.sem_alloc : memref<!tpu.dma_semaphore, #tpu.memory_space<semaphore_mem>>
      %dma_start3A_13 = arith.constant 0 : i32
      %dma_start3A_14 = tpu.memref_slice %arg2[%mul3A_2, %dma_start3A_13] : memref<2048x768xf32, #tpu.memory_space<hbm>> -> memref<64x768xf32, #tpu.memory_space<hbm>>
      %dma_start3A_15 = arith.constant 0 : i32
      %dma_start3A_16 = tpu.memref_slice %arg2[%mul3A_2, %dma_start3A_15] : memref<2048x768xf32, #tpu.memory_space<hbm>> -> memref<64x768xf32, #tpu.memory_space<hbm>>
      tpu.enqueue_dma source(%dma_start3A_16 : memref<64x768xf32, #tpu.memory_space<hbm>>) target(%arg7 : memref<64x768xf32, #tpu.memory_space<vmem>>) target_semaphore(%run_scoped3A : memref<!tpu.dma_semaphore, #tpu.memory_space<semaphore_mem>>)
      %dma_wait3A_17 = arith.constant 0 : i32
      %dma_wait3A_18 = tpu.memref_slice %arg2[%mul3A_2, %dma_wait3A_17] : memref<2048x768xf32, #tpu.memory_space<hbm>> -> memref<64x768xf32, #tpu.memory_space<hbm>>
      %dma_wait3A_19 = arith.constant 0 : i32
      %dma_wait3A_20 = tpu.memref_slice %arg2[%mul3A_2, %dma_wait3A_19] : memref<2048x768xf32, #tpu.memory_space<hbm>> -> memref<64x768xf32, #tpu.memory_space<hbm>>
      tpu.wait_dma2 semaphore(%run_scoped3A : memref<!tpu.dma_semaphore, #tpu.memory_space<semaphore_mem>>) src(%dma_wait3A_20 : memref<64x768xf32, #tpu.memory_space<hbm>>) dst(%arg7 : memref<64x768xf32, #tpu.memory_space<vmem>>)
      tpu.yield
    }) : () -> ()
    "tpu.region"() ({
      %run_scoped3A = tpu.sem_alloc : memref<!tpu.dma_semaphore, #tpu.memory_space<semaphore_mem>>
      %dma_start3A_13 = tpu.memref_slice %arg3[%mul3A_2] : memref<2048xi32, #tpu.memory_space<hbm>> -> memref<64xi32, #tpu.memory_space<hbm>>
      %dma_start3A_14 = tpu.memref_slice %arg3[%mul3A_2] : memref<2048xi32, #tpu.memory_space<hbm>> -> memref<64xi32, #tpu.memory_space<hbm>>
      tpu.enqueue_dma source(%dma_start3A_14 : memref<64xi32, #tpu.memory_space<hbm>>) target(%arg6 : memref<64xi32, #tpu.memory_space<vmem>>) target_semaphore(%run_scoped3A : memref<!tpu.dma_semaphore, #tpu.memory_space<semaphore_mem>>)
      %dma_wait3A_15 = tpu.memref_slice %arg3[%mul3A_2] : memref<2048xi32, #tpu.memory_space<hbm>> -> memref<64xi32, #tpu.memory_space<hbm>>
      %dma_wait3A_16 = tpu.memref_slice %arg3[%mul3A_2] : memref<2048xi32, #tpu.memory_space<hbm>> -> memref<64xi32, #tpu.memory_space<hbm>>
      tpu.wait_dma2 semaphore(%run_scoped3A : memref<!tpu.dma_semaphore, #tpu.memory_space<semaphore_mem>>) src(%dma_wait3A_16 : memref<64xi32, #tpu.memory_space<hbm>>) dst(%arg6 : memref<64xi32, #tpu.memory_space<vmem>>)
      tpu.yield
    }) : () -> ()
    %dma_start3A = arith.constant 0 : i32
    %dma_start3A_3 = arith.constant 0 : i32
    %dma_start3A_4 = tpu.memref_slice %arg5[%dma_start3A, %dma_start3A_3] : memref<6144x768xf32, #tpu.memory_space<hbm>> -> memref<6144x768xf32, #tpu.memory_space<hbm>>
    tpu.enqueue_indirect_dma source(%arg7 : memref<64x768xf32, #tpu.memory_space<vmem>>) target(%dma_start3A_4 : memref<6144x768xf32, #tpu.memory_space<hbm>>) offsets(%arg6 : memref<64xi32, #tpu.memory_space<vmem>>) semaphore(%arg8 : memref<!tpu.dma_semaphore, #tpu.memory_space<semaphore_mem>>)
    %dma_wait3A = arith.constant 0 : i32
    %dma_wait3A_5 = arith.constant 0 : i32
    %dma_wait3A_6 = tpu.memref_slice %arg5[%dma_wait3A, %dma_wait3A_5] : memref<6144x768xf32, #tpu.memory_space<hbm>> -> memref<6144x768xf32, #tpu.memory_space<hbm>>
    tpu.wait_indirect_dma semaphore(%arg8 : memref<!tpu.dma_semaphore, #tpu.memory_space<semaphore_mem>>) src(%arg7 : memref<64x768xf32, #tpu.memory_space<vmem>>) dst(%dma_wait3A_6 : memref<6144x768xf32, #tpu.memory_space<hbm>>)
    "tpu.region"() ({
      %run_scoped3A = tpu.sem_alloc : memref<!tpu.dma_semaphore, #tpu.memory_space<semaphore_mem>>
      %dma_start3A_13 = tpu.memref_slice %arg4[%mul3A_2] : memref<2048xi32, #tpu.memory_space<hbm>> -> memref<64xi32, #tpu.memory_space<hbm>>
      %dma_start3A_14 = tpu.memref_slice %arg4[%mul3A_2] : memref<2048xi32, #tpu.memory_space<hbm>> -> memref<64xi32, #tpu.memory_space<hbm>>
      tpu.enqueue_dma source(%dma_start3A_14 : memref<64xi32, #tpu.memory_space<hbm>>) target(%arg6 : memref<64xi32, #tpu.memory_space<vmem>>) target_semaphore(%run_scoped3A : memref<!tpu.dma_semaphore, #tpu.memory_space<semaphore_mem>>)
      %dma_wait3A_15 = tpu.memref_slice %arg4[%mul3A_2] : memref<2048xi32, #tpu.memory_space<hbm>> -> memref<64xi32, #tpu.memory_space<hbm>>
      %dma_wait3A_16 = tpu.memref_slice %arg4[%mul3A_2] : memref<2048xi32, #tpu.memory_space<hbm>> -> memref<64xi32, #tpu.memory_space<hbm>>
      tpu.wait_dma2 semaphore(%run_scoped3A : memref<!tpu.dma_semaphore, #tpu.memory_space<semaphore_mem>>) src(%dma_wait3A_16 : memref<64xi32, #tpu.memory_space<hbm>>) dst(%arg6 : memref<64xi32, #tpu.memory_space<vmem>>)
      tpu.yield
    }) : () -> ()
    %dma_start3A_7 = arith.constant 0 : i32
    %dma_start3A_8 = arith.constant 0 : i32
    %dma_start3A_9 = tpu.memref_slice %arg5[%dma_start3A_7, %dma_start3A_8] : memref<6144x768xf32, #tpu.memory_space<hbm>> -> memref<6144x768xf32, #tpu.memory_space<hbm>>
    tpu.enqueue_indirect_dma source(%arg7 : memref<64x768xf32, #tpu.memory_space<vmem>>) target(%dma_start3A_9 : memref<6144x768xf32, #tpu.memory_space<hbm>>) offsets(%arg6 : memref<64xi32, #tpu.memory_space<vmem>>) semaphore(%arg8 : memref<!tpu.dma_semaphore, #tpu.memory_space<semaphore_mem>>)
    %dma_wait3A_10 = arith.constant 0 : i32
    %dma_wait3A_11 = arith.constant 0 : i32
    %dma_wait3A_12 = tpu.memref_slice %arg5[%dma_wait3A_10, %dma_wait3A_11] : memref<6144x768xf32, #tpu.memory_space<hbm>> -> memref<6144x768xf32, #tpu.memory_space<hbm>>
    tpu.wait_indirect_dma semaphore(%arg8 : memref<!tpu.dma_semaphore, #tpu.memory_space<semaphore_mem>>) src(%arg7 : memref<64x768xf32, #tpu.memory_space<vmem>>) dst(%dma_wait3A_12 : memref<6144x768xf32, #tpu.memory_space<hbm>>)
    return
  }
}

#map = affine_map<(d0, d1) -> (0, 0)>
#map1 = affine_map<(d0, d1) -> (0)>
module attributes {stable_mosaic.version = 14 : i64} {
  func.func @_combine_body(%arg0: i32, %arg1: i32, %arg2: memref<6144x768xf32, #tpu.memory_space<hbm>>, %arg3: memref<2048xi32, #tpu.memory_space<hbm>>, %arg4: memref<2048xi32, #tpu.memory_space<hbm>>, %arg5: memref<2048x768xf32, #tpu.memory_space<hbm>>, %arg6: memref<2048x768xf32, #tpu.memory_space<hbm>>, %arg7: memref<64xi32, #tpu.memory_space<vmem>>, %arg8: memref<64x768xf32, #tpu.memory_space<vmem>>, %arg9: memref<!tpu.dma_semaphore, #tpu.memory_space<semaphore_mem>>) attributes {dimension_semantics = [#tpu.dimension_semantics<core_parallel>, #tpu.dimension_semantics<subcore_parallel>], iteration_bounds = array<i64: 2, 16>, scalar_prefetch = 0 : i64, scratch_operands = 3 : i64, tpu.core_type = #tpu.core_type<sc_vector_subcore>, window_params = [{transform_indices = #map}, {transform_indices = #map1}, {transform_indices = #map1}, {transform_indices = #map}, {transform_indices = #map}]} {
    %mul3A = arith.constant 2 : i32
    %mul3A_0 = arith.muli %arg1, %mul3A : i32
    %add3A = arith.addi %mul3A_0, %arg0 : i32
    %mul3A_1 = arith.constant 64 : i32
    %mul3A_2 = arith.muli %add3A, %mul3A_1 : i32
    "tpu.region"() ({
      %run_scoped3A = tpu.sem_alloc : memref<!tpu.dma_semaphore, #tpu.memory_space<semaphore_mem>>
      %dma_start3A_13 = tpu.memref_slice %arg3[%mul3A_2] : memref<2048xi32, #tpu.memory_space<hbm>> -> memref<64xi32, #tpu.memory_space<hbm>>
      %dma_start3A_14 = tpu.memref_slice %arg3[%mul3A_2] : memref<2048xi32, #tpu.memory_space<hbm>> -> memref<64xi32, #tpu.memory_space<hbm>>
      tpu.enqueue_dma source(%dma_start3A_14 : memref<64xi32, #tpu.memory_space<hbm>>) target(%arg7 : memref<64xi32, #tpu.memory_space<vmem>>) target_semaphore(%run_scoped3A : memref<!tpu.dma_semaphore, #tpu.memory_space<semaphore_mem>>)
      %dma_wait3A_15 = tpu.memref_slice %arg3[%mul3A_2] : memref<2048xi32, #tpu.memory_space<hbm>> -> memref<64xi32, #tpu.memory_space<hbm>>
      %dma_wait3A_16 = tpu.memref_slice %arg3[%mul3A_2] : memref<2048xi32, #tpu.memory_space<hbm>> -> memref<64xi32, #tpu.memory_space<hbm>>
      tpu.wait_dma2 semaphore(%run_scoped3A : memref<!tpu.dma_semaphore, #tpu.memory_space<semaphore_mem>>) src(%dma_wait3A_16 : memref<64xi32, #tpu.memory_space<hbm>>) dst(%arg7 : memref<64xi32, #tpu.memory_space<vmem>>)
      tpu.yield
    }) : () -> ()
    %dma_start3A = arith.constant 0 : i32
    %dma_start3A_3 = arith.constant 0 : i32
    %dma_start3A_4 = tpu.memref_slice %arg2[%dma_start3A, %dma_start3A_3] : memref<6144x768xf32, #tpu.memory_space<hbm>> -> memref<6144x768xf32, #tpu.memory_space<hbm>>
    tpu.enqueue_indirect_dma source(%dma_start3A_4 : memref<6144x768xf32, #tpu.memory_space<hbm>>) target(%arg8 : memref<64x768xf32, #tpu.memory_space<vmem>>) offsets(%arg7 : memref<64xi32, #tpu.memory_space<vmem>>) semaphore(%arg9 : memref<!tpu.dma_semaphore, #tpu.memory_space<semaphore_mem>>)
    %dma_wait3A = arith.constant 0 : i32
    %dma_wait3A_5 = arith.constant 0 : i32
    %dma_wait3A_6 = tpu.memref_slice %arg2[%dma_wait3A, %dma_wait3A_5] : memref<6144x768xf32, #tpu.memory_space<hbm>> -> memref<6144x768xf32, #tpu.memory_space<hbm>>
    tpu.wait_indirect_dma semaphore(%arg9 : memref<!tpu.dma_semaphore, #tpu.memory_space<semaphore_mem>>) src(%dma_wait3A_6 : memref<6144x768xf32, #tpu.memory_space<hbm>>) dst(%arg8 : memref<64x768xf32, #tpu.memory_space<vmem>>)
    "tpu.region"() ({
      %run_scoped3A = tpu.sem_alloc : memref<!tpu.dma_semaphore, #tpu.memory_space<semaphore_mem>>
      %dma_start3A_13 = arith.constant 0 : i32
      %dma_start3A_14 = tpu.memref_slice %arg5[%mul3A_2, %dma_start3A_13] : memref<2048x768xf32, #tpu.memory_space<hbm>> -> memref<64x768xf32, #tpu.memory_space<hbm>>
      %dma_start3A_15 = arith.constant 0 : i32
      %dma_start3A_16 = tpu.memref_slice %arg5[%mul3A_2, %dma_start3A_15] : memref<2048x768xf32, #tpu.memory_space<hbm>> -> memref<64x768xf32, #tpu.memory_space<hbm>>
      tpu.enqueue_dma source(%arg8 : memref<64x768xf32, #tpu.memory_space<vmem>>) target(%dma_start3A_16 : memref<64x768xf32, #tpu.memory_space<hbm>>) target_semaphore(%run_scoped3A : memref<!tpu.dma_semaphore, #tpu.memory_space<semaphore_mem>>)
      %dma_wait3A_17 = arith.constant 0 : i32
      %dma_wait3A_18 = tpu.memref_slice %arg5[%mul3A_2, %dma_wait3A_17] : memref<2048x768xf32, #tpu.memory_space<hbm>> -> memref<64x768xf32, #tpu.memory_space<hbm>>
      %dma_wait3A_19 = arith.constant 0 : i32
      %dma_wait3A_20 = tpu.memref_slice %arg5[%mul3A_2, %dma_wait3A_19] : memref<2048x768xf32, #tpu.memory_space<hbm>> -> memref<64x768xf32, #tpu.memory_space<hbm>>
      tpu.wait_dma2 semaphore(%run_scoped3A : memref<!tpu.dma_semaphore, #tpu.memory_space<semaphore_mem>>) src(%arg8 : memref<64x768xf32, #tpu.memory_space<vmem>>) dst(%dma_wait3A_20 : memref<64x768xf32, #tpu.memory_space<hbm>>)
      tpu.yield
    }) : () -> ()
    "tpu.region"() ({
      %run_scoped3A = tpu.sem_alloc : memref<!tpu.dma_semaphore, #tpu.memory_space<semaphore_mem>>
      %dma_start3A_13 = tpu.memref_slice %arg4[%mul3A_2] : memref<2048xi32, #tpu.memory_space<hbm>> -> memref<64xi32, #tpu.memory_space<hbm>>
      %dma_start3A_14 = tpu.memref_slice %arg4[%mul3A_2] : memref<2048xi32, #tpu.memory_space<hbm>> -> memref<64xi32, #tpu.memory_space<hbm>>
      tpu.enqueue_dma source(%dma_start3A_14 : memref<64xi32, #tpu.memory_space<hbm>>) target(%arg7 : memref<64xi32, #tpu.memory_space<vmem>>) target_semaphore(%run_scoped3A : memref<!tpu.dma_semaphore, #tpu.memory_space<semaphore_mem>>)
      %dma_wait3A_15 = tpu.memref_slice %arg4[%mul3A_2] : memref<2048xi32, #tpu.memory_space<hbm>> -> memref<64xi32, #tpu.memory_space<hbm>>
      %dma_wait3A_16 = tpu.memref_slice %arg4[%mul3A_2] : memref<2048xi32, #tpu.memory_space<hbm>> -> memref<64xi32, #tpu.memory_space<hbm>>
      tpu.wait_dma2 semaphore(%run_scoped3A : memref<!tpu.dma_semaphore, #tpu.memory_space<semaphore_mem>>) src(%dma_wait3A_16 : memref<64xi32, #tpu.memory_space<hbm>>) dst(%arg7 : memref<64xi32, #tpu.memory_space<vmem>>)
      tpu.yield
    }) : () -> ()
    %dma_start3A_7 = arith.constant 0 : i32
    %dma_start3A_8 = arith.constant 0 : i32
    %dma_start3A_9 = tpu.memref_slice %arg2[%dma_start3A_7, %dma_start3A_8] : memref<6144x768xf32, #tpu.memory_space<hbm>> -> memref<6144x768xf32, #tpu.memory_space<hbm>>
    tpu.enqueue_indirect_dma source(%dma_start3A_9 : memref<6144x768xf32, #tpu.memory_space<hbm>>) target(%arg8 : memref<64x768xf32, #tpu.memory_space<vmem>>) offsets(%arg7 : memref<64xi32, #tpu.memory_space<vmem>>) semaphore(%arg9 : memref<!tpu.dma_semaphore, #tpu.memory_space<semaphore_mem>>)
    %dma_wait3A_10 = arith.constant 0 : i32
    %dma_wait3A_11 = arith.constant 0 : i32
    %dma_wait3A_12 = tpu.memref_slice %arg2[%dma_wait3A_10, %dma_wait3A_11] : memref<6144x768xf32, #tpu.memory_space<hbm>> -> memref<6144x768xf32, #tpu.memory_space<hbm>>
    tpu.wait_indirect_dma semaphore(%arg9 : memref<!tpu.dma_semaphore, #tpu.memory_space<semaphore_mem>>) src(%dma_wait3A_12 : memref<6144x768xf32, #tpu.memory_space<hbm>>) dst(%arg8 : memref<64x768xf32, #tpu.memory_space<vmem>>)
    "tpu.region"() ({
      %run_scoped3A = tpu.sem_alloc : memref<!tpu.dma_semaphore, #tpu.memory_space<semaphore_mem>>
      %dma_start3A_13 = arith.constant 0 : i32
      %dma_start3A_14 = tpu.memref_slice %arg6[%mul3A_2, %dma_start3A_13] : memref<2048x768xf32, #tpu.memory_space<hbm>> -> memref<64x768xf32, #tpu.memory_space<hbm>>
      %dma_start3A_15 = arith.constant 0 : i32
      %dma_start3A_16 = tpu.memref_slice %arg6[%mul3A_2, %dma_start3A_15] : memref<2048x768xf32, #tpu.memory_space<hbm>> -> memref<64x768xf32, #tpu.memory_space<hbm>>
      tpu.enqueue_dma source(%arg8 : memref<64x768xf32, #tpu.memory_space<vmem>>) target(%dma_start3A_16 : memref<64x768xf32, #tpu.memory_space<hbm>>) target_semaphore(%run_scoped3A : memref<!tpu.dma_semaphore, #tpu.memory_space<semaphore_mem>>)
      %dma_wait3A_17 = arith.constant 0 : i32
      %dma_wait3A_18 = tpu.memref_slice %arg6[%mul3A_2, %dma_wait3A_17] : memref<2048x768xf32, #tpu.memory_space<hbm>> -> memref<64x768xf32, #tpu.memory_space<hbm>>
      %dma_wait3A_19 = arith.constant 0 : i32
      %dma_wait3A_20 = tpu.memref_slice %arg6[%mul3A_2, %dma_wait3A_19] : memref<2048x768xf32, #tpu.memory_space<hbm>> -> memref<64x768xf32, #tpu.memory_space<hbm>>
      tpu.wait_dma2 semaphore(%run_scoped3A : memref<!tpu.dma_semaphore, #tpu.memory_space<semaphore_mem>>) src(%arg8 : memref<64x768xf32, #tpu.memory_space<vmem>>) dst(%dma_wait3A_20 : memref<64x768xf32, #tpu.memory_space<hbm>>)
      tpu.yield
    }) : () -> ()
    return
  }
}

module attributes {stable_mosaic.version = 14 : i64} {
  func.func @_expert_kernel(%arg0: i32, %arg1: memref<24xi32, #tpu.memory_space<smem>>, %arg2: memref<24xi32, #tpu.memory_space<smem>>, %arg3: memref<24xi32, #tpu.memory_space<smem>>, %arg4: memref<24xi32, #tpu.memory_space<smem>>, %arg5: memref<256x768xf32, #tpu.memory_space<vmem>>, %arg6: memref<8x2048x768xf32, #tpu.memory_space<any>>, %arg7: memref<8x2048x768xf32, #tpu.memory_space<any>>, %arg8: memref<8x768x2048xf32, #tpu.memory_space<any>>, %arg9: memref<256x768xf32, #tpu.memory_space<vmem>>, %arg10: memref<2x2048x768xf32, #tpu.memory_space<vmem>>, %arg11: memref<2x2048x768xf32, #tpu.memory_space<vmem>>, %arg12: memref<2x768x2048xf32, #tpu.memory_space<vmem>>, %arg13: memref<2x3x!tpu.dma_semaphore, #tpu.memory_space<semaphore_mem>>) attributes {dimension_semantics = [#tpu.dimension_semantics<arbitrary>], iteration_bounds = array<i64: 24>, scalar_prefetch = 4 : i64, scratch_operands = 4 : i64, tpu.core_type = #tpu.core_type<tc>, window_params = [{transform_indices = @transform_0, window_bounds = array<i64: 256, 768>}, {}, {}, {}, {transform_indices = @transform_4, window_bounds = array<i64: 256, 768>}]} {
    %get3A = arith.index_cast %arg0 : i32 to index
    %get3A_0 = memref.load %arg1[%get3A] : memref<24xi32, #tpu.memory_space<smem>>
    %get3A_1 = arith.index_cast %arg0 : i32 to index
    %get3A_2 = memref.load %arg3[%get3A_1] : memref<24xi32, #tpu.memory_space<smem>>
    %get3A_3 = arith.index_cast %arg0 : i32 to index
    %get3A_4 = memref.load %arg4[%get3A_3] : memref<24xi32, #tpu.memory_space<smem>>
    %eq3A = arith.constant 0 : i32
    %eq3A_5 = arith.cmpi eq, %arg0, %eq3A : i32
    %convert_element_type3A = arith.extui %eq3A_5 : i1 to i32
    %cond3A = arith.constant 0 : i32
    %cond3A_6 = arith.cmpi ne, %convert_element_type3A, %cond3A : i32
    scf.if %cond3A_6 {
      %dma_start3A = arith.constant 0 : i32
      %dma_start3A_42 = tpu.memref_slice %arg13[%get3A_2, %dma_start3A] : memref<2x3x!tpu.dma_semaphore, #tpu.memory_space<semaphore_mem>> -> memref<1x1x!tpu.dma_semaphore, #tpu.memory_space<semaphore_mem>>
      %dma_start3A_43 = tpu.memref_squeeze %dma_start3A_42 : memref<1x1x!tpu.dma_semaphore, #tpu.memory_space<semaphore_mem>> -> memref<!tpu.dma_semaphore, #tpu.memory_space<semaphore_mem>>
      %dma_start3A_44 = arith.constant 0 : i32
      %dma_start3A_45 = arith.constant 0 : i32
      %dma_start3A_46 = tpu.memref_slice %arg10[%get3A_2, %dma_start3A_44, %dma_start3A_45] : memref<2x2048x768xf32, #tpu.memory_space<vmem>> -> memref<1x2048x768xf32, #tpu.memory_space<vmem>>
      %dma_start3A_47 = tpu.memref_squeeze %dma_start3A_46 : memref<1x2048x768xf32, #tpu.memory_space<vmem>> -> memref<2048x768xf32, #tpu.memory_space<vmem>>
      %dma_start3A_48 = arith.constant 0 : i32
      %dma_start3A_49 = arith.constant 0 : i32
      %dma_start3A_50 = tpu.memref_slice %arg6[%get3A_0, %dma_start3A_48, %dma_start3A_49] : memref<8x2048x768xf32, #tpu.memory_space<any>> -> memref<1x2048x768xf32, #tpu.memory_space<any>>
      %dma_start3A_51 = tpu.memref_squeeze %dma_start3A_50 : memref<1x2048x768xf32, #tpu.memory_space<any>> -> memref<2048x768xf32, #tpu.memory_space<any>>
      tpu.enqueue_dma source(%dma_start3A_51 : memref<2048x768xf32, #tpu.memory_space<any>>) target(%dma_start3A_47 : memref<2048x768xf32, #tpu.memory_space<vmem>>) target_semaphore(%dma_start3A_43 : memref<!tpu.dma_semaphore, #tpu.memory_space<semaphore_mem>>)
      %dma_start3A_52 = arith.constant 1 : i32
      %dma_start3A_53 = tpu.memref_slice %arg13[%get3A_2, %dma_start3A_52] : memref<2x3x!tpu.dma_semaphore, #tpu.memory_space<semaphore_mem>> -> memref<1x1x!tpu.dma_semaphore, #tpu.memory_space<semaphore_mem>>
      %dma_start3A_54 = tpu.memref_squeeze %dma_start3A_53 : memref<1x1x!tpu.dma_semaphore, #tpu.memory_space<semaphore_mem>> -> memref<!tpu.dma_semaphore, #tpu.memory_space<semaphore_mem>>
      %dma_start3A_55 = arith.constant 0 : i32
      %dma_start3A_56 = arith.constant 0 : i32
      %dma_start3A_57 = tpu.memref_slice %arg11[%get3A_2, %dma_start3A_55, %dma_start3A_56] : memref<2x2048x768xf32, #tpu.memory_space<vmem>> -> memref<1x2048x768xf32, #tpu.memory_space<vmem>>
      %dma_start3A_58 = tpu.memref_squeeze %dma_start3A_57 : memref<1x2048x768xf32, #tpu.memory_space<vmem>> -> memref<2048x768xf32, #tpu.memory_space<vmem>>
      %dma_start3A_59 = arith.constant 0 : i32
      %dma_start3A_60 = arith.constant 0 : i32
      %dma_start3A_61 = tpu.memref_slice %arg7[%get3A_0, %dma_start3A_59, %dma_start3A_60] : memref<8x2048x768xf32, #tpu.memory_space<any>> -> memref<1x2048x768xf32, #tpu.memory_space<any>>
      %dma_start3A_62 = tpu.memref_squeeze %dma_start3A_61 : memref<1x2048x768xf32, #tpu.memory_space<any>> -> memref<2048x768xf32, #tpu.memory_space<any>>
      tpu.enqueue_dma source(%dma_start3A_62 : memref<2048x768xf32, #tpu.memory_space<any>>) target(%dma_start3A_58 : memref<2048x768xf32, #tpu.memory_space<vmem>>) target_semaphore(%dma_start3A_54 : memref<!tpu.dma_semaphore, #tpu.memory_space<semaphore_mem>>)
      %dma_start3A_63 = arith.constant 2 : i32
      %dma_start3A_64 = tpu.memref_slice %arg13[%get3A_2, %dma_start3A_63] : memref<2x3x!tpu.dma_semaphore, #tpu.memory_space<semaphore_mem>> -> memref<1x1x!tpu.dma_semaphore, #tpu.memory_space<semaphore_mem>>
      %dma_start3A_65 = tpu.memref_squeeze %dma_start3A_64 : memref<1x1x!tpu.dma_semaphore, #tpu.memory_space<semaphore_mem>> -> memref<!tpu.dma_semaphore, #tpu.memory_space<semaphore_mem>>
      %dma_start3A_66 = arith.constant 0 : i32
      %dma_start3A_67 = arith.constant 0 : i32
      %dma_start3A_68 = tpu.memref_slice %arg12[%get3A_2, %dma_start3A_66, %dma_start3A_67] : memref<2x768x2048xf32, #tpu.memory_space<vmem>> -> memref<1x768x2048xf32, #tpu.memory_space<vmem>>
      %dma_start3A_69 = tpu.memref_squeeze %dma_start3A_68 : memref<1x768x2048xf32, #tpu.memory_space<vmem>> -> memref<768x2048xf32, #tpu.memory_space<vmem>>
      %dma_start3A_70 = arith.constant 0 : i32
      %dma_start3A_71 = arith.constant 0 : i32
      %dma_start3A_72 = tpu.memref_slice %arg8[%get3A_0, %dma_start3A_70, %dma_start3A_71] : memref<8x768x2048xf32, #tpu.memory_space<any>> -> memref<1x768x2048xf32, #tpu.memory_space<any>>
      %dma_start3A_73 = tpu.memref_squeeze %dma_start3A_72 : memref<1x768x2048xf32, #tpu.memory_space<any>> -> memref<768x2048xf32, #tpu.memory_space<any>>
      tpu.enqueue_dma source(%dma_start3A_73 : memref<768x2048xf32, #tpu.memory_space<any>>) target(%dma_start3A_69 : memref<768x2048xf32, #tpu.memory_space<vmem>>) target_semaphore(%dma_start3A_65 : memref<!tpu.dma_semaphore, #tpu.memory_space<semaphore_mem>>)
      %dma_wait3A = arith.constant 0 : i32
      %dma_wait3A_74 = tpu.memref_slice %arg13[%get3A_2, %dma_wait3A] : memref<2x3x!tpu.dma_semaphore, #tpu.memory_space<semaphore_mem>> -> memref<1x1x!tpu.dma_semaphore, #tpu.memory_space<semaphore_mem>>
      %dma_wait3A_75 = tpu.memref_squeeze %dma_wait3A_74 : memref<1x1x!tpu.dma_semaphore, #tpu.memory_space<semaphore_mem>> -> memref<!tpu.dma_semaphore, #tpu.memory_space<semaphore_mem>>
      %dma_wait3A_76 = arith.constant 0 : i32
      %dma_wait3A_77 = arith.constant 0 : i32
      %dma_wait3A_78 = tpu.memref_slice %arg10[%get3A_2, %dma_wait3A_76, %dma_wait3A_77] : memref<2x2048x768xf32, #tpu.memory_space<vmem>> -> memref<1x2048x768xf32, #tpu.memory_space<vmem>>
      %dma_wait3A_79 = tpu.memref_squeeze %dma_wait3A_78 : memref<1x2048x768xf32, #tpu.memory_space<vmem>> -> memref<2048x768xf32, #tpu.memory_space<vmem>>
      %dma_wait3A_80 = arith.constant 0 : i32
      %dma_wait3A_81 = arith.constant 0 : i32
      %dma_wait3A_82 = tpu.memref_slice %arg6[%get3A_0, %dma_wait3A_80, %dma_wait3A_81] : memref<8x2048x768xf32, #tpu.memory_space<any>> -> memref<1x2048x768xf32, #tpu.memory_space<any>>
      %dma_wait3A_83 = tpu.memref_squeeze %dma_wait3A_82 : memref<1x2048x768xf32, #tpu.memory_space<any>> -> memref<2048x768xf32, #tpu.memory_space<any>>
      tpu.wait_dma2 semaphore(%dma_wait3A_75 : memref<!tpu.dma_semaphore, #tpu.memory_space<semaphore_mem>>) src(%dma_wait3A_83 : memref<2048x768xf32, #tpu.memory_space<any>>) dst(%dma_wait3A_79 : memref<2048x768xf32, #tpu.memory_space<vmem>>)
      %dma_wait3A_84 = arith.constant 1 : i32
      %dma_wait3A_85 = tpu.memref_slice %arg13[%get3A_2, %dma_wait3A_84] : memref<2x3x!tpu.dma_semaphore, #tpu.memory_space<semaphore_mem>> -> memref<1x1x!tpu.dma_semaphore, #tpu.memory_space<semaphore_mem>>
      %dma_wait3A_86 = tpu.memref_squeeze %dma_wait3A_85 : memref<1x1x!tpu.dma_semaphore, #tpu.memory_space<semaphore_mem>> -> memref<!tpu.dma_semaphore, #tpu.memory_space<semaphore_mem>>
      %dma_wait3A_87 = arith.constant 0 : i32
      %dma_wait3A_88 = arith.constant 0 : i32
      %dma_wait3A_89 = tpu.memref_slice %arg11[%get3A_2, %dma_wait3A_87, %dma_wait3A_88] : memref<2x2048x768xf32, #tpu.memory_space<vmem>> -> memref<1x2048x768xf32, #tpu.memory_space<vmem>>
      %dma_wait3A_90 = tpu.memref_squeeze %dma_wait3A_89 : memref<1x2048x768xf32, #tpu.memory_space<vmem>> -> memref<2048x768xf32, #tpu.memory_space<vmem>>
      %dma_wait3A_91 = arith.constant 0 : i32
      %dma_wait3A_92 = arith.constant 0 : i32
      %dma_wait3A_93 = tpu.memref_slice %arg7[%get3A_0, %dma_wait3A_91, %dma_wait3A_92] : memref<8x2048x768xf32, #tpu.memory_space<any>> -> memref<1x2048x768xf32, #tpu.memory_space<any>>
      %dma_wait3A_94 = tpu.memref_squeeze %dma_wait3A_93 : memref<1x2048x768xf32, #tpu.memory_space<any>> -> memref<2048x768xf32, #tpu.memory_space<any>>
      tpu.wait_dma2 semaphore(%dma_wait3A_86 : memref<!tpu.dma_semaphore, #tpu.memory_space<semaphore_mem>>) src(%dma_wait3A_94 : memref<2048x768xf32, #tpu.memory_space<any>>) dst(%dma_wait3A_90 : memref<2048x768xf32, #tpu.memory_space<vmem>>)
      %dma_wait3A_95 = arith.constant 2 : i32
      %dma_wait3A_96 = tpu.memref_slice %arg13[%get3A_2, %dma_wait3A_95] : memref<2x3x!tpu.dma_semaphore, #tpu.memory_space<semaphore_mem>> -> memref<1x1x!tpu.dma_semaphore, #tpu.memory_space<semaphore_mem>>
      %dma_wait3A_97 = tpu.memref_squeeze %dma_wait3A_96 : memref<1x1x!tpu.dma_semaphore, #tpu.memory_space<semaphore_mem>> -> memref<!tpu.dma_semaphore, #tpu.memory_space<semaphore_mem>>
      %dma_wait3A_98 = arith.constant 0 : i32
      %dma_wait3A_99 = arith.constant 0 : i32
      %dma_wait3A_100 = tpu.memref_slice %arg12[%get3A_2, %dma_wait3A_98, %dma_wait3A_99] : memref<2x768x2048xf32, #tpu.memory_space<vmem>> -> memref<1x768x2048xf32, #tpu.memory_space<vmem>>
      %dma_wait3A_101 = tpu.memref_squeeze %dma_wait3A_100 : memref<1x768x2048xf32, #tpu.memory_space<vmem>> -> memref<768x2048xf32, #tpu.memory_space<vmem>>
      %dma_wait3A_102 = arith.constant 0 : i32
      %dma_wait3A_103 = arith.constant 0 : i32
      %dma_wait3A_104 = tpu.memref_slice %arg8[%get3A_0, %dma_wait3A_102, %dma_wait3A_103] : memref<8x768x2048xf32, #tpu.memory_space<any>> -> memref<1x768x2048xf32, #tpu.memory_space<any>>
      %dma_wait3A_105 = tpu.memref_squeeze %dma_wait3A_104 : memref<1x768x2048xf32, #tpu.memory_space<any>> -> memref<768x2048xf32, #tpu.memory_space<any>>
      tpu.wait_dma2 semaphore(%dma_wait3A_97 : memref<!tpu.dma_semaphore, #tpu.memory_space<semaphore_mem>>) src(%dma_wait3A_105 : memref<768x2048xf32, #tpu.memory_space<any>>) dst(%dma_wait3A_101 : memref<768x2048xf32, #tpu.memory_space<vmem>>)
    } else {
    }
    %gt3A = arith.constant 0 : i32
    %gt3A_7 = arith.cmpi sgt, %arg0, %gt3A : i32
    %sub3A = arith.constant 1 : i32
    %sub3A_8 = arith.subi %arg0, %sub3A : i32
    %max3A = arith.constant 0 : i32
    %max3A_9 = arith.maxsi %sub3A_8, %max3A : i32
    %get3A_10 = arith.index_cast %max3A_9 : i32 to index
    %get3A_11 = memref.load %arg1[%get3A_10] : memref<24xi32, #tpu.memory_space<smem>>
    %ne3A = arith.cmpi ne, %get3A_11, %get3A_0 : i32
    %and3A = arith.andi %gt3A_7, %ne3A : i1
    %convert_element_type3A_12 = arith.extui %and3A : i1 to i32
    %cond3A_13 = arith.constant 0 : i32
    %cond3A_14 = arith.cmpi ne, %convert_element_type3A_12, %cond3A_13 : i32
    scf.if %cond3A_14 {
      %dma_wait3A = arith.constant 0 : i32
      %dma_wait3A_42 = tpu.memref_slice %arg13[%get3A_2, %dma_wait3A] : memref<2x3x!tpu.dma_semaphore, #tpu.memory_space<semaphore_mem>> -> memref<1x1x!tpu.dma_semaphore, #tpu.memory_space<semaphore_mem>>
      %dma_wait3A_43 = tpu.memref_squeeze %dma_wait3A_42 : memref<1x1x!tpu.dma_semaphore, #tpu.memory_space<semaphore_mem>> -> memref<!tpu.dma_semaphore, #tpu.memory_space<semaphore_mem>>
      %dma_wait3A_44 = arith.constant 0 : i32
      %dma_wait3A_45 = arith.constant 0 : i32
      %dma_wait3A_46 = tpu.memref_slice %arg10[%get3A_2, %dma_wait3A_44, %dma_wait3A_45] : memref<2x2048x768xf32, #tpu.memory_space<vmem>> -> memref<1x2048x768xf32, #tpu.memory_space<vmem>>
      %dma_wait3A_47 = tpu.memref_squeeze %dma_wait3A_46 : memref<1x2048x768xf32, #tpu.memory_space<vmem>> -> memref<2048x768xf32, #tpu.memory_space<vmem>>
      %dma_wait3A_48 = arith.constant 0 : i32
      %dma_wait3A_49 = arith.constant 0 : i32
      %dma_wait3A_50 = tpu.memref_slice %arg6[%get3A_0, %dma_wait3A_48, %dma_wait3A_49] : memref<8x2048x768xf32, #tpu.memory_space<any>> -> memref<1x2048x768xf32, #tpu.memory_space<any>>
      %dma_wait3A_51 = tpu.memref_squeeze %dma_wait3A_50 : memref<1x2048x768xf32, #tpu.memory_space<any>> -> memref<2048x768xf32, #tpu.memory_space<any>>
      tpu.wait_dma2 semaphore(%dma_wait3A_43 : memref<!tpu.dma_semaphore, #tpu.memory_space<semaphore_mem>>) src(%dma_wait3A_51 : memref<2048x768xf32, #tpu.memory_space<any>>) dst(%dma_wait3A_47 : memref<2048x768xf32, #tpu.memory_space<vmem>>)
      %dma_wait3A_52 = arith.constant 1 : i32
      %dma_wait3A_53 = tpu.memref_slice %arg13[%get3A_2, %dma_wait3A_52] : memref<2x3x!tpu.dma_semaphore, #tpu.memory_space<semaphore_mem>> -> memref<1x1x!tpu.dma_semaphore, #tpu.memory_space<semaphore_mem>>
      %dma_wait3A_54 = tpu.memref_squeeze %dma_wait3A_53 : memref<1x1x!tpu.dma_semaphore, #tpu.memory_space<semaphore_mem>> -> memref<!tpu.dma_semaphore, #tpu.memory_space<semaphore_mem>>
      %dma_wait3A_55 = arith.constant 0 : i32
      %dma_wait3A_56 = arith.constant 0 : i32
      %dma_wait3A_57 = tpu.memref_slice %arg11[%get3A_2, %dma_wait3A_55, %dma_wait3A_56] : memref<2x2048x768xf32, #tpu.memory_space<vmem>> -> memref<1x2048x768xf32, #tpu.memory_space<vmem>>
      %dma_wait3A_58 = tpu.memref_squeeze %dma_wait3A_57 : memref<1x2048x768xf32, #tpu.memory_space<vmem>> -> memref<2048x768xf32, #tpu.memory_space<vmem>>
      %dma_wait3A_59 = arith.constant 0 : i32
      %dma_wait3A_60 = arith.constant 0 : i32
      %dma_wait3A_61 = tpu.memref_slice %arg7[%get3A_0, %dma_wait3A_59, %dma_wait3A_60] : memref<8x2048x768xf32, #tpu.memory_space<any>> -> memref<1x2048x768xf32, #tpu.memory_space<any>>
      %dma_wait3A_62 = tpu.memref_squeeze %dma_wait3A_61 : memref<1x2048x768xf32, #tpu.memory_space<any>> -> memref<2048x768xf32, #tpu.memory_space<any>>
      tpu.wait_dma2 semaphore(%dma_wait3A_54 : memref<!tpu.dma_semaphore, #tpu.memory_space<semaphore_mem>>) src(%dma_wait3A_62 : memref<2048x768xf32, #tpu.memory_space<any>>) dst(%dma_wait3A_58 : memref<2048x768xf32, #tpu.memory_space<vmem>>)
      %dma_wait3A_63 = arith.constant 2 : i32
      %dma_wait3A_64 = tpu.memref_slice %arg13[%get3A_2, %dma_wait3A_63] : memref<2x3x!tpu.dma_semaphore, #tpu.memory_space<semaphore_mem>> -> memref<1x1x!tpu.dma_semaphore, #tpu.memory_space<semaphore_mem>>
      %dma_wait3A_65 = tpu.memref_squeeze %dma_wait3A_64 : memref<1x1x!tpu.dma_semaphore, #tpu.memory_space<semaphore_mem>> -> memref<!tpu.dma_semaphore, #tpu.memory_space<semaphore_mem>>
      %dma_wait3A_66 = arith.constant 0 : i32
      %dma_wait3A_67 = arith.constant 0 : i32
      %dma_wait3A_68 = tpu.memref_slice %arg12[%get3A_2, %dma_wait3A_66, %dma_wait3A_67] : memref<2x768x2048xf32, #tpu.memory_space<vmem>> -> memref<1x768x2048xf32, #tpu.memory_space<vmem>>
      %dma_wait3A_69 = tpu.memref_squeeze %dma_wait3A_68 : memref<1x768x2048xf32, #tpu.memory_space<vmem>> -> memref<768x2048xf32, #tpu.memory_space<vmem>>
      %dma_wait3A_70 = arith.constant 0 : i32
      %dma_wait3A_71 = arith.constant 0 : i32
      %dma_wait3A_72 = tpu.memref_slice %arg8[%get3A_0, %dma_wait3A_70, %dma_wait3A_71] : memref<8x768x2048xf32, #tpu.memory_space<any>> -> memref<1x768x2048xf32, #tpu.memory_space<any>>
      %dma_wait3A_73 = tpu.memref_squeeze %dma_wait3A_72 : memref<1x768x2048xf32, #tpu.memory_space<any>> -> memref<768x2048xf32, #tpu.memory_space<any>>
      tpu.wait_dma2 semaphore(%dma_wait3A_65 : memref<!tpu.dma_semaphore, #tpu.memory_space<semaphore_mem>>) src(%dma_wait3A_73 : memref<768x2048xf32, #tpu.memory_space<any>>) dst(%dma_wait3A_69 : memref<768x2048xf32, #tpu.memory_space<vmem>>)
    } else {
    }
    %eq3A_15 = arith.constant 0 : i32
    %eq3A_16 = arith.cmpi eq, %arg0, %eq3A_15 : i32
    %or3A = arith.ori %eq3A_16, %and3A : i1
    %ne3A_17 = arith.cmpi ne, %get3A_4, %get3A_0 : i32
    %and3A_18 = arith.andi %or3A, %ne3A_17 : i1
    %convert_element_type3A_19 = arith.extui %and3A_18 : i1 to i32
    %cond3A_20 = arith.constant 0 : i32
    %cond3A_21 = arith.cmpi ne, %convert_element_type3A_19, %cond3A_20 : i32
    scf.if %cond3A_21 {
      %sub3A_42 = arith.constant 1 : i32
      %sub3A_43 = arith.subi %sub3A_42, %get3A_2 : i32
      %dma_start3A = arith.constant 0 : i32
      %dma_start3A_44 = tpu.memref_slice %arg13[%sub3A_43, %dma_start3A] : memref<2x3x!tpu.dma_semaphore, #tpu.memory_space<semaphore_mem>> -> memref<1x1x!tpu.dma_semaphore, #tpu.memory_space<semaphore_mem>>
      %dma_start3A_45 = tpu.memref_squeeze %dma_start3A_44 : memref<1x1x!tpu.dma_semaphore, #tpu.memory_space<semaphore_mem>> -> memref<!tpu.dma_semaphore, #tpu.memory_space<semaphore_mem>>
      %dma_start3A_46 = arith.constant 0 : i32
      %dma_start3A_47 = arith.constant 0 : i32
      %dma_start3A_48 = tpu.memref_slice %arg10[%sub3A_43, %dma_start3A_46, %dma_start3A_47] : memref<2x2048x768xf32, #tpu.memory_space<vmem>> -> memref<1x2048x768xf32, #tpu.memory_space<vmem>>
      %dma_start3A_49 = tpu.memref_squeeze %dma_start3A_48 : memref<1x2048x768xf32, #tpu.memory_space<vmem>> -> memref<2048x768xf32, #tpu.memory_space<vmem>>
      %dma_start3A_50 = arith.constant 0 : i32
      %dma_start3A_51 = arith.constant 0 : i32
      %dma_start3A_52 = tpu.memref_slice %arg6[%get3A_4, %dma_start3A_50, %dma_start3A_51] : memref<8x2048x768xf32, #tpu.memory_space<any>> -> memref<1x2048x768xf32, #tpu.memory_space<any>>
      %dma_start3A_53 = tpu.memref_squeeze %dma_start3A_52 : memref<1x2048x768xf32, #tpu.memory_space<any>> -> memref<2048x768xf32, #tpu.memory_space<any>>
      tpu.enqueue_dma source(%dma_start3A_53 : memref<2048x768xf32, #tpu.memory_space<any>>) target(%dma_start3A_49 : memref<2048x768xf32, #tpu.memory_space<vmem>>) target_semaphore(%dma_start3A_45 : memref<!tpu.dma_semaphore, #tpu.memory_space<semaphore_mem>>)
      %dma_start3A_54 = arith.constant 1 : i32
      %dma_start3A_55 = tpu.memref_slice %arg13[%sub3A_43, %dma_start3A_54] : memref<2x3x!tpu.dma_semaphore, #tpu.memory_space<semaphore_mem>> -> memref<1x1x!tpu.dma_semaphore, #tpu.memory_space<semaphore_mem>>
      %dma_start3A_56 = tpu.memref_squeeze %dma_start3A_55 : memref<1x1x!tpu.dma_semaphore, #tpu.memory_space<semaphore_mem>> -> memref<!tpu.dma_semaphore, #tpu.memory_space<semaphore_mem>>
      %dma_start3A_57 = arith.constant 0 : i32
      %dma_start3A_58 = arith.constant 0 : i32
      %dma_start3A_59 = tpu.memref_slice %arg11[%sub3A_43, %dma_start3A_57, %dma_start3A_58] : memref<2x2048x768xf32, #tpu.memory_space<vmem>> -> memref<1x2048x768xf32, #tpu.memory_space<vmem>>
      %dma_start3A_60 = tpu.memref_squeeze %dma_start3A_59 : memref<1x2048x768xf32, #tpu.memory_space<vmem>> -> memref<2048x768xf32, #tpu.memory_space<vmem>>
      %dma_start3A_61 = arith.constant 0 : i32
      %dma_start3A_62 = arith.constant 0 : i32
      %dma_start3A_63 = tpu.memref_slice %arg7[%get3A_4, %dma_start3A_61, %dma_start3A_62] : memref<8x2048x768xf32, #tpu.memory_space<any>> -> memref<1x2048x768xf32, #tpu.memory_space<any>>
      %dma_start3A_64 = tpu.memref_squeeze %dma_start3A_63 : memref<1x2048x768xf32, #tpu.memory_space<any>> -> memref<2048x768xf32, #tpu.memory_space<any>>
      tpu.enqueue_dma source(%dma_start3A_64 : memref<2048x768xf32, #tpu.memory_space<any>>) target(%dma_start3A_60 : memref<2048x768xf32, #tpu.memory_space<vmem>>) target_semaphore(%dma_start3A_56 : memref<!tpu.dma_semaphore, #tpu.memory_space<semaphore_mem>>)
      %dma_start3A_65 = arith.constant 2 : i32
      %dma_start3A_66 = tpu.memref_slice %arg13[%sub3A_43, %dma_start3A_65] : memref<2x3x!tpu.dma_semaphore, #tpu.memory_space<semaphore_mem>> -> memref<1x1x!tpu.dma_semaphore, #tpu.memory_space<semaphore_mem>>
      %dma_start3A_67 = tpu.memref_squeeze %dma_start3A_66 : memref<1x1x!tpu.dma_semaphore, #tpu.memory_space<semaphore_mem>> -> memref<!tpu.dma_semaphore, #tpu.memory_space<semaphore_mem>>
      %dma_start3A_68 = arith.constant 0 : i32
      %dma_start3A_69 = arith.constant 0 : i32
      %dma_start3A_70 = tpu.memref_slice %arg12[%sub3A_43, %dma_start3A_68, %dma_start3A_69] : memref<2x768x2048xf32, #tpu.memory_space<vmem>> -> memref<1x768x2048xf32, #tpu.memory_space<vmem>>
      %dma_start3A_71 = tpu.memref_squeeze %dma_start3A_70 : memref<1x768x2048xf32, #tpu.memory_space<vmem>> -> memref<768x2048xf32, #tpu.memory_space<vmem>>
      %dma_start3A_72 = arith.constant 0 : i32
      %dma_start3A_73 = arith.constant 0 : i32
      %dma_start3A_74 = tpu.memref_slice %arg8[%get3A_4, %dma_start3A_72, %dma_start3A_73] : memref<8x768x2048xf32, #tpu.memory_space<any>> -> memref<1x768x2048xf32, #tpu.memory_space<any>>
      %dma_start3A_75 = tpu.memref_squeeze %dma_start3A_74 : memref<1x768x2048xf32, #tpu.memory_space<any>> -> memref<768x2048xf32, #tpu.memory_space<any>>
      tpu.enqueue_dma source(%dma_start3A_75 : memref<768x2048xf32, #tpu.memory_space<any>>) target(%dma_start3A_71 : memref<768x2048xf32, #tpu.memory_space<vmem>>) target_semaphore(%dma_start3A_67 : memref<!tpu.dma_semaphore, #tpu.memory_space<semaphore_mem>>)
    } else {
    }
    %get3A_22 = arith.index_cast %arg0 : i32 to index
    %get3A_23 = memref.load %arg2[%get3A_22] : memref<24xi32, #tpu.memory_space<smem>>
    %gt3A_24 = arith.constant 0 : i32
    %gt3A_25 = arith.cmpi sgt, %get3A_23, %gt3A_24 : i32
    %eq3A_26 = arith.constant 0 : i32
    %eq3A_27 = arith.cmpi eq, %get3A_2, %eq3A_26 : i32
    %and3A_28 = arith.andi %gt3A_25, %eq3A_27 : i1
    %convert_element_type3A_29 = arith.extui %and3A_28 : i1 to i32
    %cond3A_30 = arith.constant 0 : i32
    %cond3A_31 = arith.cmpi ne, %convert_element_type3A_29, %cond3A_30 : i32
    scf.if %cond3A_31 {
      %get3A_42 = arith.constant 0 : index
      %get3A_43 = arith.constant 0 : index
      %get3A_44 = vector.load %arg5[%get3A_42, %get3A_43] : memref<256x768xf32, #tpu.memory_space<vmem>>, vector<256x768xf32>
      %get3A_45 = arith.constant 0 : index
      %get3A_46 = arith.constant 0 : index
      %get3A_47 = arith.constant 0 : index
      %get3A_48 = vector.load %arg10[%get3A_45, %get3A_46, %get3A_47] : memref<2x2048x768xf32, #tpu.memory_space<vmem>>, vector<1x2048x768xf32>
      %get3A_49 = vector.shape_cast %get3A_48 : vector<1x2048x768xf32> to vector<2048x768xf32>
      %dot_general3A = arith.constant dense<0.000000e+00> : vector<256x2048xf32>
      %dot_general3A_50 = tpu.matmul %get3A_44, %get3A_49, %dot_general3A {dimension_numbers = #tpu.dot_dimension_numbers<[1], [1], [0], [0], [0, 0, 1, 0], [], []>, transpose_lhs_hint = false} : vector<256x768xf32>, vector<2048x768xf32>, vector<256x2048xf32> -> vector<256x2048xf32>
      %get3A_51 = arith.constant 0 : index
      %get3A_52 = arith.constant 0 : index
      %get3A_53 = arith.constant 0 : index
      %get3A_54 = vector.load %arg11[%get3A_51, %get3A_52, %get3A_53] : memref<2x2048x768xf32, #tpu.memory_space<vmem>>, vector<1x2048x768xf32>
      %get3A_55 = vector.shape_cast %get3A_54 : vector<1x2048x768xf32> to vector<2048x768xf32>
      %dot_general3A_56 = arith.constant dense<0.000000e+00> : vector<256x2048xf32>
      %dot_general3A_57 = tpu.matmul %get3A_44, %get3A_55, %dot_general3A_56 {dimension_numbers = #tpu.dot_dimension_numbers<[1], [1], [0], [0], [0, 0, 1, 0], [], []>, transpose_lhs_hint = false} : vector<256x768xf32>, vector<2048x768xf32>, vector<256x2048xf32> -> vector<256x2048xf32>
      %neg3A = arith.constant 0.000000e+00 : f32
      %neg3A_58 = vector.broadcast %neg3A : f32 to vector<256x2048xf32>
      %neg3A_59 = arith.subf %neg3A_58, %dot_general3A_50 : vector<256x2048xf32>
      %exp3A = math.exp %neg3A_59 : vector<256x2048xf32>
      %add3A = arith.constant 1.000000e+00 : f32
      %add3A_60 = vector.broadcast %add3A : f32 to vector<256x2048xf32>
      %add3A_61 = arith.addf %add3A_60, %exp3A : vector<256x2048xf32>
      %div3A = arith.divf %dot_general3A_50, %add3A_61 : vector<256x2048xf32>
      %mul3A = arith.mulf %div3A, %dot_general3A_57 : vector<256x2048xf32>
      %get3A_62 = arith.constant 0 : index
      %get3A_63 = arith.constant 0 : index
      %get3A_64 = arith.constant 0 : index
      %get3A_65 = vector.load %arg12[%get3A_62, %get3A_63, %get3A_64] : memref<2x768x2048xf32, #tpu.memory_space<vmem>>, vector<1x768x2048xf32>
      %get3A_66 = vector.shape_cast %get3A_65 : vector<1x768x2048xf32> to vector<768x2048xf32>
      %dot_general3A_67 = arith.constant dense<0.000000e+00> : vector<256x768xf32>
      %dot_general3A_68 = tpu.matmul %mul3A, %get3A_66, %dot_general3A_67 {dimension_numbers = #tpu.dot_dimension_numbers<[1], [1], [0], [0], [0, 0, 1, 0], [], []>, transpose_lhs_hint = false} : vector<256x2048xf32>, vector<768x2048xf32>, vector<256x768xf32> -> vector<256x768xf32>
      %swap3A = arith.constant 0 : index
      %swap3A_69 = arith.constant 0 : index
      %swap3A_70 = vector.load %arg9[%swap3A, %swap3A_69] : memref<256x768xf32, #tpu.memory_space<vmem>>, vector<256x768xf32>
      tpu.vector_store %arg9[%swap3A, %swap3A_69], %dot_general3A_68 {strides = array<i32>} : memref<256x768xf32, #tpu.memory_space<vmem>>, vector<256x768xf32>,
    } else {
    }
    %get3A_32 = arith.index_cast %arg0 : i32 to index
    %get3A_33 = memref.load %arg2[%get3A_32] : memref<24xi32, #tpu.memory_space<smem>>
    %gt3A_34 = arith.constant 0 : i32
    %gt3A_35 = arith.cmpi sgt, %get3A_33, %gt3A_34 : i32
    %eq3A_36 = arith.constant 1 : i32
    %eq3A_37 = arith.cmpi eq, %get3A_2, %eq3A_36 : i32
    %and3A_38 = arith.andi %gt3A_35, %eq3A_37 : i1
    %convert_element_type3A_39 = arith.extui %and3A_38 : i1 to i32
    %cond3A_40 = arith.constant 0 : i32
    %cond3A_41 = arith.cmpi ne, %convert_element_type3A_39, %cond3A_40 : i32
    scf.if %cond3A_41 {
      %get3A_42 = arith.constant 0 : index
      %get3A_43 = arith.constant 0 : index
      %get3A_44 = vector.load %arg5[%get3A_42, %get3A_43] : memref<256x768xf32, #tpu.memory_space<vmem>>, vector<256x768xf32>
      %get3A_45 = arith.constant 1 : index
      %get3A_46 = arith.constant 0 : index
      %get3A_47 = arith.constant 0 : index
      %get3A_48 = vector.load %arg10[%get3A_45, %get3A_46, %get3A_47] : memref<2x2048x768xf32, #tpu.memory_space<vmem>>, vector<1x2048x768xf32>
      %get3A_49 = vector.shape_cast %get3A_48 : vector<1x2048x768xf32> to vector<2048x768xf32>
      %dot_general3A = arith.constant dense<0.000000e+00> : vector<256x2048xf32>
      %dot_general3A_50 = tpu.matmul %get3A_44, %get3A_49, %dot_general3A {dimension_numbers = #tpu.dot_dimension_numbers<[1], [1], [0], [0], [0, 0, 1, 0], [], []>, transpose_lhs_hint = false} : vector<256x768xf32>, vector<2048x768xf32>, vector<256x2048xf32> -> vector<256x2048xf32>
      %get3A_51 = arith.constant 1 : index
      %get3A_52 = arith.constant 0 : index
      %get3A_53 = arith.constant 0 : index
      %get3A_54 = vector.load %arg11[%get3A_51, %get3A_52, %get3A_53] : memref<2x2048x768xf32, #tpu.memory_space<vmem>>, vector<1x2048x768xf32>
      %get3A_55 = vector.shape_cast %get3A_54 : vector<1x2048x768xf32> to vector<2048x768xf32>
      %dot_general3A_56 = arith.constant dense<0.000000e+00> : vector<256x2048xf32>
      %dot_general3A_57 = tpu.matmul %get3A_44, %get3A_55, %dot_general3A_56 {dimension_numbers = #tpu.dot_dimension_numbers<[1], [1], [0], [0], [0, 0, 1, 0], [], []>, transpose_lhs_hint = false} : vector<256x768xf32>, vector<2048x768xf32>, vector<256x2048xf32> -> vector<256x2048xf32>
      %neg3A = arith.constant 0.000000e+00 : f32
      %neg3A_58 = vector.broadcast %neg3A : f32 to vector<256x2048xf32>
      %neg3A_59 = arith.subf %neg3A_58, %dot_general3A_50 : vector<256x2048xf32>
      %exp3A = math.exp %neg3A_59 : vector<256x2048xf32>
      %add3A = arith.constant 1.000000e+00 : f32
      %add3A_60 = vector.broadcast %add3A : f32 to vector<256x2048xf32>
      %add3A_61 = arith.addf %add3A_60, %exp3A : vector<256x2048xf32>
      %div3A = arith.divf %dot_general3A_50, %add3A_61 : vector<256x2048xf32>
      %mul3A = arith.mulf %div3A, %dot_general3A_57 : vector<256x2048xf32>
      %get3A_62 = arith.constant 1 : index
      %get3A_63 = arith.constant 0 : index
      %get3A_64 = arith.constant 0 : index
      %get3A_65 = vector.load %arg12[%get3A_62, %get3A_63, %get3A_64] : memref<2x768x2048xf32, #tpu.memory_space<vmem>>, vector<1x768x2048xf32>
      %get3A_66 = vector.shape_cast %get3A_65 : vector<1x768x2048xf32> to vector<768x2048xf32>
      %dot_general3A_67 = arith.constant dense<0.000000e+00> : vector<256x768xf32>
      %dot_general3A_68 = tpu.matmul %mul3A, %get3A_66, %dot_general3A_67 {dimension_numbers = #tpu.dot_dimension_numbers<[1], [1], [0], [0], [0, 0, 1, 0], [], []>, transpose_lhs_hint = false} : vector<256x2048xf32>, vector<768x2048xf32>, vector<256x768xf32> -> vector<256x768xf32>
      %swap3A = arith.constant 0 : index
      %swap3A_69 = arith.constant 0 : index
      %swap3A_70 = vector.load %arg9[%swap3A, %swap3A_69] : memref<256x768xf32, #tpu.memory_space<vmem>>, vector<256x768xf32>
      tpu.vector_store %arg9[%swap3A, %swap3A_69], %dot_general3A_68 {strides = array<i32>} : memref<256x768xf32, #tpu.memory_space<vmem>>, vector<256x768xf32>,
    } else {
    }
    return
  }
  func.func @transform_0(%arg0: i32, %arg1: memref<24xi32, #tpu.memory_space<smem>>, %arg2: memref<24xi32, #tpu.memory_space<smem>>, %arg3: memref<24xi32, #tpu.memory_space<smem>>, %arg4: memref<24xi32, #tpu.memory_space<smem>>) -> (i32, i32) {
    %c0_i32 = arith.constant 0 : i32
    %c0_i32_0 = arith.constant 0 : i32
    return %arg0, %c0_i32 : i32, i32
  }
  func.func @transform_4(%arg0: i32, %arg1: memref<24xi32, #tpu.memory_space<smem>>, %arg2: memref<24xi32, #tpu.memory_space<smem>>, %arg3: memref<24xi32, #tpu.memory_space<smem>>, %arg4: memref<24xi32, #tpu.memory_space<smem>>) -> (i32, i32) {
    %c0_i32 = arith.constant 0 : i32
    %c0_i32_0 = arith.constant 0 : i32
    return %arg0, %c0_i32 : i32, i32
  }
}

module attributes {stable_mosaic.version = 14 : i64} {
  func.func @_gating_kernel(%arg0: memref<2048x768xf32, #tpu.memory_space<vmem>>, %arg1: memref<8x768xf32, #tpu.memory_space<vmem>>, %arg2: memref<2048x1xi32, #tpu.memory_space<vmem>>, %arg3: memref<2048x1xi32, #tpu.memory_space<vmem>>, %arg4: memref<2048x1xf32, #tpu.memory_space<vmem>>, %arg5: memref<2048x1xf32, #tpu.memory_space<vmem>>, %arg6: memref<1x24xi32, #tpu.memory_space<vmem>>, %arg7: memref<1x24xi32, #tpu.memory_space<vmem>>, %arg8: memref<1x24xi32, #tpu.memory_space<vmem>>, %arg9: memref<1x24xi32, #tpu.memory_space<vmem>>, %arg10: memref<2048x8xf32, #tpu.memory_space<vmem>>, %arg11: memref<2048x8xf32, #tpu.memory_space<vmem>>) attributes {dimension_semantics = [], scalar_prefetch = 0 : i64, scratch_operands = 2 : i64, tpu.core_type = #tpu.core_type<tc>} {
    %get3A = arith.constant 0 : index
    %get3A_0 = arith.constant 0 : index
    %get3A_1 = vector.load %arg0[%get3A, %get3A_0] : memref<2048x768xf32, #tpu.memory_space<vmem>>, vector<2048x768xf32>
    %get3A_2 = arith.constant 0 : index
    %get3A_3 = arith.constant 0 : index
    %get3A_4 = vector.load %arg1[%get3A_2, %get3A_3] : memref<8x768xf32, #tpu.memory_space<vmem>>, vector<8x768xf32>
    %dot_general3A = arith.constant dense<0.000000e+00> : vector<2048x8xf32>
    %dot_general3A_5 = tpu.matmul %get3A_1, %get3A_4, %dot_general3A {dimension_numbers = #tpu.dot_dimension_numbers<[1], [1], [0], [0], [0, 0, 1, 0], [], []>, transpose_lhs_hint = false} : vector<2048x768xf32>, vector<8x768xf32>, vector<2048x8xf32> -> vector<2048x8xf32>
    %reduce_max3A = arith.constant dense<0xFF800000> : vector<2048xf32>
    %reduce_max3A_6 = vector.multi_reduction <maximumf>, %dot_general3A_5, %reduce_max3A [1] : vector<2048x8xf32> to vector<2048xf32>
    %broadcast_in_dim3A = vector.shape_cast %reduce_max3A_6 : vector<2048xf32> to vector<2048x1xf32>
    %sub3A = vector.broadcast %broadcast_in_dim3A : vector<2048x1xf32> to vector<2048x8xf32>
    %sub3A_7 = arith.subf %dot_general3A_5, %sub3A : vector<2048x8xf32>
    %exp3A = math.exp %sub3A_7 : vector<2048x8xf32>
    %reduce_sum3A = arith.constant dense<0.000000e+00> : vector<2048xf32>
    %reduce_sum3A_8 = vector.multi_reduction <add>, %exp3A, %reduce_sum3A [1] : vector<2048x8xf32> to vector<2048xf32>
    %broadcast_in_dim3A_9 = vector.shape_cast %reduce_sum3A_8 : vector<2048xf32> to vector<2048x1xf32>
    %div3A = vector.broadcast %broadcast_in_dim3A_9 : vector<2048x1xf32> to vector<2048x8xf32>
    %div3A_10 = arith.divf %exp3A, %div3A : vector<2048x8xf32>
    %iota3A = tpu.iota {dimensions = array<i32: 1>} : vector<2048x8xi32>
    %reduce_max3A_11 = arith.constant dense<0xFF800000> : vector<2048xf32>
    %reduce_max3A_12 = vector.multi_reduction <maximumf>, %div3A_10, %reduce_max3A_11 [1] : vector<2048x8xf32> to vector<2048xf32>
    %broadcast_in_dim3A_13 = vector.shape_cast %reduce_max3A_12 : vector<2048xf32> to vector<2048x1xf32>
    %eq3A = vector.broadcast %broadcast_in_dim3A_13 : vector<2048x1xf32> to vector<2048x8xf32>
    %eq3A_14 = arith.cmpf oeq, %div3A_10, %eq3A : vector<2048x8xf32>
    %jit3A = arith.constant 8 : i32
    %broadcast_in_dim3A_15 = vector.broadcast %jit3A : i32 to vector<2048x8xi32>
    %select_n3A = arith.select %eq3A_14, %iota3A, %broadcast_in_dim3A_15 : vector<2048x8xi1>, vector<2048x8xi32>
    %reduce_min3A = arith.constant dense<2147483647> : vector<2048xi32>
    %reduce_min3A_16 = vector.multi_reduction <minsi>, %select_n3A, %reduce_min3A [1] : vector<2048x8xi32> to vector<2048xi32>
    %broadcast_in_dim3A_17 = vector.shape_cast %reduce_min3A_16 : vector<2048xi32> to vector<2048x1xi32>
    %eq3A_18 = vector.broadcast %broadcast_in_dim3A_17 : vector<2048x1xi32> to vector<2048x8xi32>
    %eq3A_19 = arith.cmpi eq, %iota3A, %eq3A_18 : vector<2048x8xi32>
    %jit3A_20 = arith.constant -1.000000e+00 : f32
    %broadcast_in_dim3A_21 = vector.broadcast %jit3A_20 : f32 to vector<2048x8xf32>
    %select_n3A_22 = arith.select %eq3A_19, %broadcast_in_dim3A_21, %div3A_10 : vector<2048x8xi1>, vector<2048x8xf32>
    %reduce_max3A_23 = arith.constant dense<0xFF800000> : vector<2048xf32>
    %reduce_max3A_24 = vector.multi_reduction <maximumf>, %select_n3A_22, %reduce_max3A_23 [1] : vector<2048x8xf32> to vector<2048xf32>
    %broadcast_in_dim3A_25 = vector.shape_cast %reduce_max3A_24 : vector<2048xf32> to vector<2048x1xf32>
    %eq3A_26 = vector.broadcast %broadcast_in_dim3A_25 : vector<2048x1xf32> to vector<2048x8xf32>
    %eq3A_27 = arith.cmpf oeq, %select_n3A_22, %eq3A_26 : vector<2048x8xf32>
    %jit3A_28 = arith.constant 8 : i32
    %broadcast_in_dim3A_29 = vector.broadcast %jit3A_28 : i32 to vector<2048x8xi32>
    %select_n3A_30 = arith.select %eq3A_27, %iota3A, %broadcast_in_dim3A_29 : vector<2048x8xi1>, vector<2048x8xi32>
    %reduce_min3A_31 = arith.constant dense<2147483647> : vector<2048xi32>
    %reduce_min3A_32 = vector.multi_reduction <minsi>, %select_n3A_30, %reduce_min3A_31 [1] : vector<2048x8xi32> to vector<2048xi32>
    %broadcast_in_dim3A_33 = vector.shape_cast %reduce_min3A_32 : vector<2048xi32> to vector<2048x1xi32>
    %eq3A_34 = vector.broadcast %broadcast_in_dim3A_33 : vector<2048x1xi32> to vector<2048x8xi32>
    %eq3A_35 = arith.cmpi eq, %iota3A, %eq3A_34 : vector<2048x8xi32>
    %convert_element_type3A = arith.extui %eq3A_19 : vector<2048x8xi1> to vector<2048x8xi32>
    %convert_element_type3A_36 = arith.sitofp %convert_element_type3A : vector<2048x8xi32> to vector<2048x8xf32>
    %convert_element_type3A_37 = arith.extui %eq3A_35 : vector<2048x8xi1> to vector<2048x8xi32>
    %convert_element_type3A_38 = arith.sitofp %convert_element_type3A_37 : vector<2048x8xi32> to vector<2048x8xf32>
    %add3A = arith.addf %convert_element_type3A_36, %convert_element_type3A_38 : vector<2048x8xf32>
    %iota3A_39 = tpu.iota {dimensions = array<i32: 0>} : vector<256x256xi32>
    %iota3A_40 = tpu.iota {dimensions = array<i32: 1>} : vector<256x256xi32>
    %ge3A = arith.cmpi sge, %iota3A_39, %iota3A_40 : vector<256x256xi32>
    %convert_element_type3A_41 = arith.extui %ge3A : vector<256x256xi1> to vector<256x256xi32>
    %convert_element_type3A_42 = arith.sitofp %convert_element_type3A_41 : vector<256x256xi32> to vector<256x256xf32>
    %swap3A = arith.constant 0 : index
    %swap3A_43 = arith.constant 0 : index
    %swap3A_44 = vector.load %arg10[%swap3A, %swap3A_43] : memref<2048x8xf32, #tpu.memory_space<vmem>>, vector<2048x8xf32>
    tpu.vector_store %arg10[%swap3A, %swap3A_43], %add3A {strides = array<i32>} : memref<2048x8xf32, #tpu.memory_space<vmem>>, vector<2048x8xf32>,
    %broadcast_in_dim3A_45 = arith.constant 0.000000e+00 : f32
    %broadcast_in_dim3A_46 = vector.broadcast %broadcast_in_dim3A_45 : f32 to vector<1x8xf32>
    %scan3A = arith.constant 0 : i32
    %scan3A_47 = arith.constant 8 : i32
    %scan3A_48 = arith.addi %scan3A, %scan3A_47 : i32
    %scan3A_49 = arith.constant 1 : i32
    %scan3A_50 = scf.for %scan3A_218 = %scan3A to %scan3A_48 step %scan3A_49 iter_args(%scan3A_219 = %broadcast_in_dim3A_46) -> (vector<1x8xf32>)  : i32 {
      %mul3A_220 = arith.constant 256 : i32
      %mul3A_221 = arith.muli %scan3A_218, %mul3A_220 : i32
      %get3A_222 = arith.index_cast %mul3A_221 : i32 to index
      %get3A_223 = arith.constant 0 : index
      %get3A_224 = vector.load %arg10[%get3A_222, %get3A_223] : memref<2048x8xf32, #tpu.memory_space<vmem>>, vector<256x8xf32>
      %dot_general3A_225 = arith.constant dense<0.000000e+00> : vector<256x8xf32>
      %dot_general3A_226 = tpu.matmul %convert_element_type3A_42, %get3A_224, %dot_general3A_225 {dimension_numbers = #tpu.dot_dimension_numbers<[1], [0], [0], [1], [0, 0, 1, 1], [], []>, transpose_lhs_hint = false} : vector<256x256xf32>, vector<256x8xf32>, vector<256x8xf32> -> vector<256x8xf32>
      %add3A_227 = vector.broadcast %scan3A_219 : vector<1x8xf32> to vector<256x8xf32>
      %add3A_228 = arith.addf %dot_general3A_226, %add3A_227 : vector<256x8xf32>
      %mul3A_229 = arith.constant 256 : i32
      %mul3A_230 = arith.muli %scan3A_218, %mul3A_229 : i32
      %swap3A_231 = arith.index_cast %mul3A_230 : i32 to index
      %swap3A_232 = arith.constant 0 : index
      %swap3A_233 = vector.load %arg11[%swap3A_231, %swap3A_232] : memref<2048x8xf32, #tpu.memory_space<vmem>>, vector<256x8xf32>
      tpu.vector_store %arg11[%swap3A_231, %swap3A_232], %add3A_228 {strides = array<i32>} : memref<2048x8xf32, #tpu.memory_space<vmem>>, vector<256x8xf32>,
      %reduce_max3A_234 = arith.constant dense<0xFF800000> : vector<8xf32>
      %reduce_max3A_235 = vector.multi_reduction <maximumf>, %add3A_228, %reduce_max3A_234 [0] : vector<256x8xf32> to vector<8xf32>
      %broadcast_in_dim3A_236 = vector.shape_cast %reduce_max3A_235 : vector<8xf32> to vector<1x8xf32>
      scf.yield %broadcast_in_dim3A_236 : vector<1x8xf32>
    }
    %scan3A_51 = arith.constant 8 : i32
    %get3A_52 = arith.constant 0 : index
    %get3A_53 = arith.constant 0 : index
    %get3A_54 = vector.load %arg11[%get3A_52, %get3A_53] : memref<2048x8xf32, #tpu.memory_space<vmem>>, vector<2048x8xf32>
    %sub3A_55 = arith.subf %get3A_54, %add3A : vector<2048x8xf32>
    %div3A_56 = arith.constant 2.560000e+02 : f32
    %div3A_57 = vector.broadcast %div3A_56 : f32 to vector<1x8xf32>
    %div3A_58 = arith.divf %scan3A_50, %div3A_57 : vector<1x8xf32>
    %ceil3A = math.ceil %div3A_58 : vector<1x8xf32>
    %iota3A_59 = tpu.iota {dimensions = array<i32: 0>} : vector<8x8xi32>
    %iota3A_60 = tpu.iota {dimensions = array<i32: 1>} : vector<8x8xi32>
    %lt3A = arith.cmpi slt, %iota3A_59, %iota3A_60 : vector<8x8xi32>
    %convert_element_type3A_61 = arith.extui %lt3A : vector<8x8xi1> to vector<8x8xi32>
    %convert_element_type3A_62 = arith.sitofp %convert_element_type3A_61 : vector<8x8xi32> to vector<8x8xf32>
    %dot_general3A_63 = arith.constant dense<0.000000e+00> : vector<1x8xf32>
    %dot_general3A_64 = tpu.matmul %ceil3A, %convert_element_type3A_62, %dot_general3A_63 {dimension_numbers = #tpu.dot_dimension_numbers<[1], [0], [0], [1], [0, 0, 1, 1], [], []>, transpose_lhs_hint = false} : vector<1x8xf32>, vector<8x8xf32>, vector<1x8xf32> -> vector<1x8xf32>
    %mul3A = arith.constant 2.560000e+02 : f32
    %mul3A_65 = vector.broadcast %mul3A : f32 to vector<1x8xf32>
    %mul3A_66 = arith.mulf %dot_general3A_64, %mul3A_65 : vector<1x8xf32>
    %jit3A_67 = arith.constant 0.000000e+00 : f32
    %broadcast_in_dim3A_68 = vector.broadcast %jit3A_67 : f32 to vector<2048x8xf32>
    %select_n3A_69 = arith.select %eq3A_19, %sub3A_55, %broadcast_in_dim3A_68 : vector<2048x8xi1>, vector<2048x8xf32>
    %reduce_sum3A_70 = arith.constant dense<0.000000e+00> : vector<2048xf32>
    %reduce_sum3A_71 = vector.multi_reduction <add>, %select_n3A_69, %reduce_sum3A_70 [1] : vector<2048x8xf32> to vector<2048xf32>
    %broadcast_in_dim3A_72 = vector.shape_cast %reduce_sum3A_71 : vector<2048xf32> to vector<2048x1xf32>
    %jit3A_73 = arith.constant 0.000000e+00 : f32
    %broadcast_in_dim3A_74 = vector.broadcast %jit3A_73 : f32 to vector<2048x8xf32>
    %select_n3A_75 = arith.select %eq3A_35, %sub3A_55, %broadcast_in_dim3A_74 : vector<2048x8xi1>, vector<2048x8xf32>
    %reduce_sum3A_76 = arith.constant dense<0.000000e+00> : vector<2048xf32>
    %reduce_sum3A_77 = vector.multi_reduction <add>, %select_n3A_75, %reduce_sum3A_76 [1] : vector<2048x8xf32> to vector<2048xf32>
    %broadcast_in_dim3A_78 = vector.shape_cast %reduce_sum3A_77 : vector<2048xf32> to vector<2048x1xf32>
    %jit3A_79 = arith.constant 0.000000e+00 : f32
    %broadcast_in_dim3A_80 = vector.shape_cast %mul3A_66 : vector<1x8xf32> to vector<1x8xf32>
    %broadcast_in_dim3A_81 = vector.broadcast %broadcast_in_dim3A_80 : vector<1x8xf32> to vector<2048x8xf32>
    %broadcast_in_dim3A_82 = vector.broadcast %jit3A_79 : f32 to vector<2048x8xf32>
    %select_n3A_83 = arith.select %eq3A_19, %broadcast_in_dim3A_81, %broadcast_in_dim3A_82 : vector<2048x8xi1>, vector<2048x8xf32>
    %reduce_sum3A_84 = arith.constant dense<0.000000e+00> : vector<2048xf32>
    %reduce_sum3A_85 = vector.multi_reduction <add>, %select_n3A_83, %reduce_sum3A_84 [1] : vector<2048x8xf32> to vector<2048xf32>
    %broadcast_in_dim3A_86 = vector.shape_cast %reduce_sum3A_85 : vector<2048xf32> to vector<2048x1xf32>
    %jit3A_87 = arith.constant 0.000000e+00 : f32
    %broadcast_in_dim3A_88 = vector.shape_cast %mul3A_66 : vector<1x8xf32> to vector<1x8xf32>
    %broadcast_in_dim3A_89 = vector.broadcast %broadcast_in_dim3A_88 : vector<1x8xf32> to vector<2048x8xf32>
    %broadcast_in_dim3A_90 = vector.broadcast %jit3A_87 : f32 to vector<2048x8xf32>
    %select_n3A_91 = arith.select %eq3A_35, %broadcast_in_dim3A_89, %broadcast_in_dim3A_90 : vector<2048x8xi1>, vector<2048x8xf32>
    %reduce_sum3A_92 = arith.constant dense<0.000000e+00> : vector<2048xf32>
    %reduce_sum3A_93 = vector.multi_reduction <add>, %select_n3A_91, %reduce_sum3A_92 [1] : vector<2048x8xf32> to vector<2048xf32>
    %broadcast_in_dim3A_94 = vector.shape_cast %reduce_sum3A_93 : vector<2048xf32> to vector<2048x1xf32>
    %add3A_95 = arith.addf %broadcast_in_dim3A_86, %broadcast_in_dim3A_72 : vector<2048x1xf32>
    %convert_element_type3A_96 = arith.fptosi %add3A_95 : vector<2048x1xf32> to vector<2048x1xi32>
    %swap3A_97 = arith.constant 0 : index
    %swap3A_98 = arith.constant 0 : index
    %swap3A_99 = vector.load %arg2[%swap3A_97, %swap3A_98] : memref<2048x1xi32, #tpu.memory_space<vmem>>, vector<2048x1xi32>
    tpu.vector_store %arg2[%swap3A_97, %swap3A_98], %convert_element_type3A_96 {strides = array<i32>} : memref<2048x1xi32, #tpu.memory_space<vmem>>, vector<2048x1xi32>,
    %add3A_100 = arith.addf %broadcast_in_dim3A_94, %broadcast_in_dim3A_78 : vector<2048x1xf32>
    %convert_element_type3A_101 = arith.fptosi %add3A_100 : vector<2048x1xf32> to vector<2048x1xi32>
    %swap3A_102 = arith.constant 0 : index
    %swap3A_103 = arith.constant 0 : index
    %swap3A_104 = vector.load %arg3[%swap3A_102, %swap3A_103] : memref<2048x1xi32, #tpu.memory_space<vmem>>, vector<2048x1xi32>
    tpu.vector_store %arg3[%swap3A_102, %swap3A_103], %convert_element_type3A_101 {strides = array<i32>} : memref<2048x1xi32, #tpu.memory_space<vmem>>, vector<2048x1xi32>,
    %swap3A_105 = arith.constant 0 : index
    %swap3A_106 = arith.constant 0 : index
    %swap3A_107 = vector.load %arg4[%swap3A_105, %swap3A_106] : memref<2048x1xf32, #tpu.memory_space<vmem>>, vector<2048x1xf32>
    tpu.vector_store %arg4[%swap3A_105, %swap3A_106], %broadcast_in_dim3A_13 {strides = array<i32>} : memref<2048x1xf32, #tpu.memory_space<vmem>>, vector<2048x1xf32>,
    %swap3A_108 = arith.constant 0 : index
    %swap3A_109 = arith.constant 0 : index
    %swap3A_110 = vector.load %arg5[%swap3A_108, %swap3A_109] : memref<2048x1xf32, #tpu.memory_space<vmem>>, vector<2048x1xf32>
    tpu.vector_store %arg5[%swap3A_108, %swap3A_109], %broadcast_in_dim3A_25 {strides = array<i32>} : memref<2048x1xf32, #tpu.memory_space<vmem>>, vector<2048x1xf32>,
    %add3A_111 = arith.addf %dot_general3A_64, %ceil3A : vector<1x8xf32>
    %convert_element_type3A_112 = arith.fptosi %add3A_111 : vector<1x8xf32> to vector<1x8xi32>
    %reduce_sum3A_113 = vector.shape_cast %ceil3A : vector<1x8xf32> to vector<1x1x8xf32>
    %reduce_sum3A_114 = arith.constant dense<0.000000e+00> : vector<1xf32>
    %reduce_sum3A_115 = vector.multi_reduction <add>, %reduce_sum3A_113, %reduce_sum3A_114 [1, 2] : vector<1x1x8xf32> to vector<1xf32>
    %reduce_sum3A_116 = vector.shape_cast %reduce_sum3A_115 : vector<1xf32> to vector<1x1x1xf32>
    %reduce_sum3A_117 = vector.extract %reduce_sum3A_116[0, 0, 0] : f32 from vector<1x1x1xf32>
    %convert_element_type3A_118 = arith.fptosi %reduce_sum3A_117 : f32 to i32
    %iota3A_119 = tpu.iota {dimensions = array<i32: 1>} : vector<8x24xi32>
    %reshape3A = vector.shape_cast %convert_element_type3A_112 : vector<1x8xi32> to vector<8x1xi32>
    %ge3A_120 = vector.broadcast %reshape3A : vector<8x1xi32> to vector<8x24xi32>
    %ge3A_121 = arith.cmpi sge, %iota3A_119, %ge3A_120 : vector<8x24xi32>
    %convert_element_type3A_122 = arith.extui %ge3A_121 : vector<8x24xi1> to vector<8x24xi32>
    %reduce_sum3A_123 = arith.constant dense<0> : vector<24xi32>
    %reduce_sum3A_124 = vector.multi_reduction <add>, %convert_element_type3A_122, %reduce_sum3A_123 [0] : vector<8x24xi32> to vector<24xi32>
    %broadcast_in_dim3A_125 = vector.shape_cast %reduce_sum3A_124 : vector<24xi32> to vector<1x24xi32>
    %lt3A_126 = arith.constant 8 : i32
    %lt3A_127 = vector.broadcast %lt3A_126 : i32 to vector<1x24xi32>
    %lt3A_128 = arith.cmpi slt, %broadcast_in_dim3A_125, %lt3A_127 : vector<1x24xi32>
    %convert_element_type3A_129 = arith.extui %lt3A_128 : vector<1x24xi1> to vector<1x24xi32>
    %swap3A_130 = arith.constant 0 : index
    %swap3A_131 = arith.constant 0 : index
    %swap3A_132 = vector.load %arg7[%swap3A_130, %swap3A_131] : memref<1x24xi32, #tpu.memory_space<vmem>>, vector<1x24xi32>
    tpu.vector_store %arg7[%swap3A_130, %swap3A_131], %convert_element_type3A_129 {strides = array<i32>} : memref<1x24xi32, #tpu.memory_space<vmem>>, vector<1x24xi32>,
    %sub3A_133 = arith.constant 1 : i32
    %sub3A_134 = arith.subi %convert_element_type3A_118, %sub3A_133 : i32
    %min3A = vector.broadcast %sub3A_134 : i32 to vector<8x24xi32>
    %min3A_135 = arith.minsi %iota3A_119, %min3A : vector<8x24xi32>
    %reshape3A_136 = vector.shape_cast %convert_element_type3A_112 : vector<1x8xi32> to vector<8x1xi32>
    %ge3A_137 = vector.broadcast %reshape3A_136 : vector<8x1xi32> to vector<8x24xi32>
    %ge3A_138 = arith.cmpi sge, %min3A_135, %ge3A_137 : vector<8x24xi32>
    %convert_element_type3A_139 = arith.extui %ge3A_138 : vector<8x24xi1> to vector<8x24xi32>
    %reduce_sum3A_140 = arith.constant dense<0> : vector<24xi32>
    %reduce_sum3A_141 = vector.multi_reduction <add>, %convert_element_type3A_139, %reduce_sum3A_140 [0] : vector<8x24xi32> to vector<24xi32>
    %broadcast_in_dim3A_142 = vector.shape_cast %reduce_sum3A_141 : vector<24xi32> to vector<1x24xi32>
    %swap3A_143 = arith.constant 0 : index
    %swap3A_144 = arith.constant 0 : index
    %swap3A_145 = vector.load %arg6[%swap3A_143, %swap3A_144] : memref<1x24xi32, #tpu.memory_space<vmem>>, vector<1x24xi32>
    tpu.vector_store %arg6[%swap3A_143, %swap3A_144], %broadcast_in_dim3A_142 {strides = array<i32>} : memref<1x24xi32, #tpu.memory_space<vmem>>, vector<1x24xi32>,
    %gt3A = arith.constant 0.000000e+00 : f32
    %gt3A_146 = vector.broadcast %gt3A : f32 to vector<1x8xf32>
    %gt3A_147 = arith.cmpf ogt, %ceil3A, %gt3A_146 : vector<1x8xf32>
    %convert_element_type3A_148 = arith.extui %gt3A_147 : vector<1x8xi1> to vector<1x8xi32>
    %convert_element_type3A_149 = arith.sitofp %convert_element_type3A_148 : vector<1x8xi32> to vector<1x8xf32>
    %lt3A_150 = arith.cmpi slt, %iota3A_59, %iota3A_60 : vector<8x8xi32>
    %convert_element_type3A_151 = arith.extui %lt3A_150 : vector<8x8xi1> to vector<8x8xi32>
    %convert_element_type3A_152 = arith.sitofp %convert_element_type3A_151 : vector<8x8xi32> to vector<8x8xf32>
    %dot_general3A_153 = arith.constant dense<0.000000e+00> : vector<1x8xf32>
    %dot_general3A_154 = tpu.matmul %convert_element_type3A_149, %convert_element_type3A_152, %dot_general3A_153 {dimension_numbers = #tpu.dot_dimension_numbers<[1], [0], [0], [1], [0, 0, 1, 1], [], []>, transpose_lhs_hint = false} : vector<1x8xf32>, vector<8x8xf32>, vector<1x8xf32> -> vector<1x8xf32>
    %convert_element_type3A_155 = arith.fptosi %dot_general3A_154 : vector<1x8xf32> to vector<1x8xi32>
    %iota3A_156 = tpu.iota {dimensions = array<i32: 0>} : vector<8x1xi32>
    %gt3A_157 = arith.cmpi sgt, %iota3A_60, %iota3A_59 : vector<8x8xi32>
    %gt3A_158 = arith.constant 0.000000e+00 : f32
    %gt3A_159 = vector.broadcast %gt3A_158 : f32 to vector<1x8xf32>
    %gt3A_160 = arith.cmpf ogt, %convert_element_type3A_149, %gt3A_159 : vector<1x8xf32>
    %and3A = vector.broadcast %gt3A_160 : vector<1x8xi1> to vector<8x8xi1>
    %and3A_161 = arith.andi %gt3A_157, %and3A : vector<8x8xi1>
    %jit3A_162 = arith.constant 8 : i32
    %broadcast_in_dim3A_163 = vector.broadcast %jit3A_162 : i32 to vector<8x8xi32>
    %select_n3A_164 = arith.select %and3A_161, %iota3A_60, %broadcast_in_dim3A_163 : vector<8x8xi1>, vector<8x8xi32>
    %reduce_min3A_165 = arith.constant dense<2147483647> : vector<8xi32>
    %reduce_min3A_166 = vector.multi_reduction <minsi>, %select_n3A_164, %reduce_min3A_165 [1] : vector<8x8xi32> to vector<8xi32>
    %broadcast_in_dim3A_167 = vector.shape_cast %reduce_min3A_166 : vector<8xi32> to vector<8x1xi32>
    %eq3A_168 = arith.constant 8 : i32
    %eq3A_169 = vector.broadcast %eq3A_168 : i32 to vector<8x1xi32>
    %eq3A_170 = arith.cmpi eq, %broadcast_in_dim3A_167, %eq3A_169 : vector<8x1xi32>
    %select_n3A_171 = arith.select %eq3A_170, %iota3A_156, %broadcast_in_dim3A_167 : vector<8x1xi1>, vector<8x1xi32>
    %iota3A_172 = tpu.iota {dimensions = array<i32: 0>} : vector<8x24xi32>
    %eq3A_173 = vector.broadcast %broadcast_in_dim3A_142 : vector<1x24xi32> to vector<8x24xi32>
    %eq3A_174 = arith.cmpi eq, %eq3A_173, %iota3A_172 : vector<8x24xi32>
    %reshape3A_175 = vector.shape_cast %convert_element_type3A_155 : vector<1x8xi32> to vector<8x1xi32>
    %jit3A_176 = arith.constant 0 : i32
    %broadcast_in_dim3A_177 = vector.shape_cast %reshape3A_175 : vector<8x1xi32> to vector<8x1xi32>
    %broadcast_in_dim3A_178 = vector.broadcast %broadcast_in_dim3A_177 : vector<8x1xi32> to vector<8x24xi32>
    %broadcast_in_dim3A_179 = vector.broadcast %jit3A_176 : i32 to vector<8x24xi32>
    %select_n3A_180 = arith.select %eq3A_174, %broadcast_in_dim3A_178, %broadcast_in_dim3A_179 : vector<8x24xi1>, vector<8x24xi32>
    %reduce_sum3A_181 = arith.constant dense<0> : vector<24xi32>
    %reduce_sum3A_182 = vector.multi_reduction <add>, %select_n3A_180, %reduce_sum3A_181 [0] : vector<8x24xi32> to vector<24xi32>
    %broadcast_in_dim3A_183 = vector.shape_cast %reduce_sum3A_182 : vector<24xi32> to vector<1x24xi32>
    %jit3A_184 = arith.constant 2 : i32
    %eq3A_185 = arith.constant 0 : i32
    %eq3A_186 = arith.cmpi eq, %jit3A_184, %eq3A_185 : i32
    %jit3A_187 = arith.constant 1 : i32
    %select_n3A_188 = arith.select %eq3A_186, %jit3A_187, %jit3A_184 : i32
    %rem3A = vector.broadcast %select_n3A_188 : i32 to vector<1x24xi32>
    %rem3A_189 = arith.remsi %broadcast_in_dim3A_183, %rem3A : vector<1x24xi32>
    %ne3A = arith.constant 0 : i32
    %ne3A_190 = vector.broadcast %ne3A : i32 to vector<1x24xi32>
    %ne3A_191 = arith.cmpi ne, %rem3A_189, %ne3A_190 : vector<1x24xi32>
    %lt3A_192 = arith.constant 0 : i32
    %lt3A_193 = vector.broadcast %lt3A_192 : i32 to vector<1x24xi32>
    %lt3A_194 = arith.cmpi slt, %rem3A_189, %lt3A_193 : vector<1x24xi32>
    %lt3A_195 = arith.constant 0 : i32
    %lt3A_196 = arith.cmpi slt, %select_n3A_188, %lt3A_195 : i32
    %ne3A_197 = vector.broadcast %lt3A_196 : i1 to vector<1x24xi1>
    %ne3A_198 = vector.broadcast %ne3A_197 : vector<1x24xi1> to vector<1x24xi1>
    %ne3A_199 = arith.xori %lt3A_194, %ne3A_198 : vector<1x24xi1>
    %and3A_200 = arith.andi %ne3A_199, %ne3A_191 : vector<1x24xi1>
    %add3A_201 = vector.broadcast %select_n3A_188 : i32 to vector<1x24xi32>
    %add3A_202 = arith.addi %rem3A_189, %add3A_201 : vector<1x24xi32>
    %select_n3A_203 = arith.select %and3A_200, %add3A_202, %rem3A_189 : vector<1x24xi1>, vector<1x24xi32>
    %swap3A_204 = arith.constant 0 : index
    %swap3A_205 = arith.constant 0 : index
    %swap3A_206 = vector.load %arg8[%swap3A_204, %swap3A_205] : memref<1x24xi32, #tpu.memory_space<vmem>>, vector<1x24xi32>
    tpu.vector_store %arg8[%swap3A_204, %swap3A_205], %select_n3A_203 {strides = array<i32>} : memref<1x24xi32, #tpu.memory_space<vmem>>, vector<1x24xi32>,
    %jit3A_207 = arith.constant 0 : i32
    %broadcast_in_dim3A_208 = vector.shape_cast %select_n3A_171 : vector<8x1xi32> to vector<8x1xi32>
    %broadcast_in_dim3A_209 = vector.broadcast %broadcast_in_dim3A_208 : vector<8x1xi32> to vector<8x24xi32>
    %broadcast_in_dim3A_210 = vector.broadcast %jit3A_207 : i32 to vector<8x24xi32>
    %select_n3A_211 = arith.select %eq3A_174, %broadcast_in_dim3A_209, %broadcast_in_dim3A_210 : vector<8x24xi1>, vector<8x24xi32>
    %reduce_sum3A_212 = arith.constant dense<0> : vector<24xi32>
    %reduce_sum3A_213 = vector.multi_reduction <add>, %select_n3A_211, %reduce_sum3A_212 [0] : vector<8x24xi32> to vector<24xi32>
    %broadcast_in_dim3A_214 = vector.shape_cast %reduce_sum3A_213 : vector<24xi32> to vector<1x24xi32>
    %swap3A_215 = arith.constant 0 : index
    %swap3A_216 = arith.constant 0 : index
    %swap3A_217 = vector.load %arg9[%swap3A_215, %swap3A_216] : memref<1x24xi32, #tpu.memory_space<vmem>>, vector<1x24xi32>
    tpu.vector_store %arg9[%swap3A_215, %swap3A_216], %broadcast_in_dim3A_214 {strides = array<i32>} : memref<1x24xi32, #tpu.memory_space<vmem>>, vector<1x24xi32>,
    return
  }
}

module attributes {stable_mosaic.version = 14 : i64} {
  func.func @_shared_kernel(%arg0: i32, %arg1: memref<512x768xf32, #tpu.memory_space<vmem>>, %arg2: memref<1024x768xf32, #tpu.memory_space<vmem>>, %arg3: memref<1024x768xf32, #tpu.memory_space<vmem>>, %arg4: memref<768x1024xf32, #tpu.memory_space<vmem>>, %arg5: memref<512x768xf32, #tpu.memory_space<vmem>>) attributes {dimension_semantics = [#tpu.dimension_semantics<arbitrary>], iteration_bounds = array<i64: 4>, scalar_prefetch = 0 : i64, scratch_operands = 0 : i64, tpu.core_type = #tpu.core_type<tc>, window_params = [{transform_indices = @transform_0, window_bounds = array<i64: 512, 768>}, {pipeline_mode = #tpu.pipeline_mode<synchronous>, transform_indices = @transform_1, window_bounds = array<i64: 1024, 768>}, {pipeline_mode = #tpu.pipeline_mode<synchronous>, transform_indices = @transform_2, window_bounds = array<i64: 1024, 768>}, {pipeline_mode = #tpu.pipeline_mode<synchronous>, transform_indices = @transform_3, window_bounds = array<i64: 768, 1024>}, {transform_indices = @transform_4, window_bounds = array<i64: 512, 768>}]} {
    %get3A = arith.constant 0 : index
    %get3A_0 = arith.constant 0 : index
    %get3A_1 = vector.load %arg1[%get3A, %get3A_0] : memref<512x768xf32, #tpu.memory_space<vmem>>, vector<512x768xf32>
    %get3A_2 = arith.constant 0 : index
    %get3A_3 = arith.constant 0 : index
    %get3A_4 = vector.load %arg2[%get3A_2, %get3A_3] : memref<1024x768xf32, #tpu.memory_space<vmem>>, vector<1024x768xf32>
    %dot_general3A = arith.constant dense<0.000000e+00> : vector<512x1024xf32>
    %dot_general3A_5 = tpu.matmul %get3A_1, %get3A_4, %dot_general3A {dimension_numbers = #tpu.dot_dimension_numbers<[1], [1], [0], [0], [0, 0, 1, 0], [], []>, transpose_lhs_hint = false} : vector<512x768xf32>, vector<1024x768xf32>, vector<512x1024xf32> -> vector<512x1024xf32>
    %get3A_6 = arith.constant 0 : index
    %get3A_7 = arith.constant 0 : index
    %get3A_8 = vector.load %arg3[%get3A_6, %get3A_7] : memref<1024x768xf32, #tpu.memory_space<vmem>>, vector<1024x768xf32>
    %dot_general3A_9 = arith.constant dense<0.000000e+00> : vector<512x1024xf32>
    %dot_general3A_10 = tpu.matmul %get3A_1, %get3A_8, %dot_general3A_9 {dimension_numbers = #tpu.dot_dimension_numbers<[1], [1], [0], [0], [0, 0, 1, 0], [], []>, transpose_lhs_hint = false} : vector<512x768xf32>, vector<1024x768xf32>, vector<512x1024xf32> -> vector<512x1024xf32>
    %neg3A = arith.constant 0.000000e+00 : f32
    %neg3A_11 = vector.broadcast %neg3A : f32 to vector<512x1024xf32>
    %neg3A_12 = arith.subf %neg3A_11, %dot_general3A_5 : vector<512x1024xf32>
    %exp3A = math.exp %neg3A_12 : vector<512x1024xf32>
    %add3A = arith.constant 1.000000e+00 : f32
    %add3A_13 = vector.broadcast %add3A : f32 to vector<512x1024xf32>
    %add3A_14 = arith.addf %add3A_13, %exp3A : vector<512x1024xf32>
    %div3A = arith.divf %dot_general3A_5, %add3A_14 : vector<512x1024xf32>
    %mul3A = arith.mulf %div3A, %dot_general3A_10 : vector<512x1024xf32>
    %get3A_15 = arith.constant 0 : index
    %get3A_16 = arith.constant 0 : index
    %get3A_17 = vector.load %arg4[%get3A_15, %get3A_16] : memref<768x1024xf32, #tpu.memory_space<vmem>>, vector<768x1024xf32>
    %dot_general3A_18 = arith.constant dense<0.000000e+00> : vector<512x768xf32>
    %dot_general3A_19 = tpu.matmul %mul3A, %get3A_17, %dot_general3A_18 {dimension_numbers = #tpu.dot_dimension_numbers<[1], [1], [0], [0], [0, 0, 1, 0], [], []>, transpose_lhs_hint = false} : vector<512x1024xf32>, vector<768x1024xf32>, vector<512x768xf32> -> vector<512x768xf32>
    %swap3A = arith.constant 0 : index
    %swap3A_20 = arith.constant 0 : index
    %swap3A_21 = vector.load %arg5[%swap3A, %swap3A_20] : memref<512x768xf32, #tpu.memory_space<vmem>>, vector<512x768xf32>
    tpu.vector_store %arg5[%swap3A, %swap3A_20], %dot_general3A_19 {strides = array<i32>} : memref<512x768xf32, #tpu.memory_space<vmem>>, vector<512x768xf32>,
    return
  }
  func.func @transform_0(%arg0: i32) -> (i32, i32) {
    %c0_i32 = arith.constant 0 : i32
    %c0_i32_0 = arith.constant 0 : i32
    return %arg0, %c0_i32 : i32, i32
  }
  func.func @transform_1(%arg0: i32) -> (i32, i32) {
    %c0_i32 = arith.constant 0 : i32
    %c0_i32_0 = arith.constant 0 : i32
    %c0_i32_1 = arith.constant 0 : i32
    return %c0_i32, %c0_i32_0 : i32, i32
  }
  func.func @transform_2(%arg0: i32) -> (i32, i32) {
    %c0_i32 = arith.constant 0 : i32
    %c0_i32_0 = arith.constant 0 : i32
    %c0_i32_1 = arith.constant 0 : i32
    return %c0_i32, %c0_i32_0 : i32, i32
  }
  func.func @transform_3(%arg0: i32) -> (i32, i32) {
    %c0_i32 = arith.constant 0 : i32
    %c0_i32_0 = arith.constant 0 : i32
    %c0_i32_1 = arith.constant 0 : i32
    return %c0_i32, %c0_i32_0 : i32, i32
  }
  func.func @transform_4(%arg0: i32) -> (i32, i32) {
    %c0_i32 = arith.constant 0 : i32
    %c0_i32_0 = arith.constant 0 : i32
    return %arg0, %c0_i32 : i32, i32
  }
}

module attributes {stable_mosaic.version = 14 : i64} {
  func.func @_final_kernel(%arg0: i32, %arg1: memref<512x768xf32, #tpu.memory_space<vmem>>, %arg2: memref<512x768xf32, #tpu.memory_space<vmem>>, %arg3: memref<512x768xf32, #tpu.memory_space<vmem>>, %arg4: memref<512x1xf32, #tpu.memory_space<vmem>>, %arg5: memref<512x1xf32, #tpu.memory_space<vmem>>, %arg6: memref<512x768xf32, #tpu.memory_space<vmem>>) attributes {dimension_semantics = [#tpu.dimension_semantics<arbitrary>], iteration_bounds = array<i64: 4>, scalar_prefetch = 0 : i64, scratch_operands = 0 : i64, tpu.core_type = #tpu.core_type<tc>, window_params = [{transform_indices = @transform_0, window_bounds = array<i64: 512, 768>}, {transform_indices = @transform_1, window_bounds = array<i64: 512, 768>}, {transform_indices = @transform_2, window_bounds = array<i64: 512, 768>}, {transform_indices = @transform_3, window_bounds = array<i64: 512, 1>}, {transform_indices = @transform_4, window_bounds = array<i64: 512, 1>}, {transform_indices = @transform_5, window_bounds = array<i64: 512, 768>}]} {
    %get3A = arith.constant 0 : index
    %get3A_0 = arith.constant 0 : index
    %get3A_1 = vector.load %arg1[%get3A, %get3A_0] : memref<512x768xf32, #tpu.memory_space<vmem>>, vector<512x768xf32>
    %get3A_2 = arith.constant 0 : index
    %get3A_3 = arith.constant 0 : index
    %get3A_4 = vector.load %arg4[%get3A_2, %get3A_3] : memref<512x1xf32, #tpu.memory_space<vmem>>, vector<512x1xf32>
    %get3A_5 = arith.constant 0 : index
    %get3A_6 = arith.constant 0 : index
    %get3A_7 = vector.load %arg2[%get3A_5, %get3A_6] : memref<512x768xf32, #tpu.memory_space<vmem>>, vector<512x768xf32>
    %mul3A = vector.broadcast %get3A_4 : vector<512x1xf32> to vector<512x768xf32>
    %mul3A_8 = arith.mulf %mul3A, %get3A_7 : vector<512x768xf32>
    %add3A = arith.addf %get3A_1, %mul3A_8 : vector<512x768xf32>
    %get3A_9 = arith.constant 0 : index
    %get3A_10 = arith.constant 0 : index
    %get3A_11 = vector.load %arg5[%get3A_9, %get3A_10] : memref<512x1xf32, #tpu.memory_space<vmem>>, vector<512x1xf32>
    %get3A_12 = arith.constant 0 : index
    %get3A_13 = arith.constant 0 : index
    %get3A_14 = vector.load %arg3[%get3A_12, %get3A_13] : memref<512x768xf32, #tpu.memory_space<vmem>>, vector<512x768xf32>
    %mul3A_15 = vector.broadcast %get3A_11 : vector<512x1xf32> to vector<512x768xf32>
    %mul3A_16 = arith.mulf %mul3A_15, %get3A_14 : vector<512x768xf32>
    %add3A_17 = arith.addf %add3A, %mul3A_16 : vector<512x768xf32>
    %swap3A = arith.constant 0 : index
    %swap3A_18 = arith.constant 0 : index
    %swap3A_19 = vector.load %arg6[%swap3A, %swap3A_18] : memref<512x768xf32, #tpu.memory_space<vmem>>, vector<512x768xf32>
    tpu.vector_store %arg6[%swap3A, %swap3A_18], %add3A_17 {strides = array<i32>} : memref<512x768xf32, #tpu.memory_space<vmem>>, vector<512x768xf32>,
    return
  }
  func.func @transform_0(%arg0: i32) -> (i32, i32) {
    %c0_i32 = arith.constant 0 : i32
    %c0_i32_0 = arith.constant 0 : i32
    return %arg0, %c0_i32 : i32, i32
  }
  func.func @transform_1(%arg0: i32) -> (i32, i32) {
    %c0_i32 = arith.constant 0 : i32
    %c0_i32_0 = arith.constant 0 : i32
    return %arg0, %c0_i32 : i32, i32
  }
  func.func @transform_2(%arg0: i32) -> (i32, i32) {
    %c0_i32 = arith.constant 0 : i32
    %c0_i32_0 = arith.constant 0 : i32
    return %arg0, %c0_i32 : i32, i32
  }
  func.func @transform_3(%arg0: i32) -> (i32, i32) {
    %c0_i32 = arith.constant 0 : i32
    %c0_i32_0 = arith.constant 0 : i32
    return %arg0, %c0_i32 : i32, i32
  }
  func.func @transform_4(%arg0: i32) -> (i32, i32) {
    %c0_i32 = arith.constant 0 : i32
    %c0_i32_0 = arith.constant 0 : i32
    return %arg0, %c0_i32 : i32, i32
  }
  func.func @transform_5(%arg0: i32) -> (i32, i32) {
    %c0_i32 = arith.constant 0 : i32
    %c0_i32_0 = arith.constant 0 : i32
    return %arg0, %c0_i32 : i32, i32
  }
}

</mosaic_0001>

<sc_bundles>
// kernel: kernel.11.cloned.1.call-start
scs
__scs_entry_jumppad:
0x0: {  	(pc) =	sbr.rel $0x88, $3  }
0x1: {  	(tag) =	ssettag $0x0;
	lr =	simm.s32 $0x1  }
0x2: {  	[smem:$0x3F99] =	sst lr;
	_ =	strace $0xD0000000  }
0x3: {  	_ = 	snop  }
0x4: {  	_ = 	snop  }
0x5: {  	_ = 	snop  }
0x6: {  	_ = 	snop  }
0x7: {  	_ = 	snop  }
__scs_overlays_trampoline_lowered:
0x8: {  	[smem:$0x3FA8] =	sst s0  }
0x9: {  	[smem:$0x3FA9] =	sst s1  }
0xa: {  	[smem:$0x3FAA] =	sst s2  }
0xb: {  	[smem:$0x3FAB] =	sst s3  }
0xc: {  	[smem:$0x3FAC] =	sst s4  }
0xd: {  	[smem:$0x3FAD] =	sst s5  }
0xe: {  	[smem:$0x3FAE] =	sst s6  }
0xf: {  	[smem:$0x3FAF] =	sst s7  }
0x10: {  	[smem:$0x3FB0] =	sst s8  }
0x11: {  	[smem:$0x3FB1] =	sst s9;
	s0 =	simm.s32 @!p0 $0x0  }
0x12: {  	s1 =	sld [smem:$0x3F97];
	s0 =	simm.s32 @p0 $0x1  }
0x13: {  	[smem:$0x3FB2] =	sst s0;
	s0 =	simm.s32 @!p1 $0x0  }
0x14: {  	s2 =	sld [smem:$0x3F96];
	s0 =	simm.s32 @p1 $0x1  }
0x15: {  	[smem:$0x3FB3] =	sst s0;
	s0 =	simm.s32 @!p2 $0x0  }
0x16: {  	s3 =	sld [smem:$0x3FDB];
	s0 =	simm.s32 @p2 $0x1  }
0x17: {  	s4 =	simm.s32 $0x1BF5;
	[smem:$0x3FB5] =	sst s0  }
0x18: {  	s0 =	sld [smem:$0x3F98];
	_ =	swait.ge [sflag:s4], $0x0  }
0x19: {  	s7 =	sld [smem:$0x3F99]  }
0x1a: {  	s8 =	sadd.s32 $0xFFFFE003, lr  }
0x1b: {  	s9 =	sadd.s32 $0xFFFFFEF7, lr;
	s5 =	simm.s32 $0xFFFFFFFF;
	p2 =	slt.u32 s8, $0xFFFFF086  }
0x1c: {  	p1 =	slt.u32 s9, $0xF7A;
	s5 =	simm.s32 @!p2 $0x0  }
0x1d: {  	s5 =	simm.s32 @p1 $0x1;
	p0 =	seq.s32 s7, s2  }
0x1e: {  	s7 =	smul.u32 @!p0 $0xF7A, s2;
	p2 =	seq.s32 @!p0 s5, $0x0  }
0x1f: {  	s9 =	smul.u32 $0xF7A, s1;
	s8 =	simm.s32 @!p0 $0x1BF5;
	p2 =	por !p2, p0  }
0x20: {  	[sflag:s8] =	ssyncset.s32 @!p0 $0xFFFFF086;
	s6 =	sadd.s32 @!p0 s3, s7;
	s7 =	simm.s32 @!p0 $0x108  }
0x21: {  	s3 =	sadd.s32 s3, s9;
	s6 =	sadd.s32 @!p0 $0x88, s6;
	s7 =	simm.s32 @p2 $0x1082  }
0x22: {  	[simem:s7], [sflag:s8] =	dma.local @!p0 [hbm:s6], $0xF7A  }
0x23: {  	s9 =	sor.u32 $0xD0000000, s2;
	s6 =	simm.s32 $0x108;
	_ =	swait.ge @!p0 [sflag:s8], $0x0  }
0x24: {  	s3 =	sadd.s32 $0x88, s3;
	s6 =	simm.s32 @!p1 $0x1082;
	[sflag:s4] =	ssyncset.s32 $0xFFFFF086  }
0x25: {  	[simem:s6], [sflag:s4] =	dma.local [hbm:s3], $0xF7A  }
0x26: {  	[smem:$0x3F99] =	sst s1;
	(tag) =	ssettag s2;
	_ =	strace s9  }
0x27: {  	s1 =	sld [smem:$0x3FA9]  }
0x28: {  	s2 =	sld [smem:$0x3FAA]  }
0x29: {  	s4 =	sld [smem:$0x3FAC]  }
0x2a: {  	p0 =	seq.s32 s5, $0x0;
	s5 =	sld [smem:$0x3FAD]  }
0x2b: {  	s6 =	sld [smem:$0x3FAE]  }
0x2c: {  	s7 =	sld [smem:$0x3FAF]  }
0x2d: {  	s3 =	simm.s32 $0x108;
	s8 =	sld [smem:$0x3FB0]  }
0x2e: {  	s3 =	simm.s32 @!p0 $0x1082;
	s9 =	sld [smem:$0x3FB1]  }
0x2f: {  	lr =	sadd.s32 s0, s3;
	s0 =	sld [smem:$0x3FA8]  }
0x30: {  	s3 =	sld [smem:$0x3FAB]  }
0x31: {  	[smem:$0x3FB4] =	sst s10  }
0x32: {  	s10 =	sld [smem:$0x3FB2];
	_ =	sdelay $0x3  }
0x33: {  	p0 =	seq.s32 s10, $0x1;
	s10 =	sld [smem:$0x3FB4];
	_ =	sdelay $0x3  }
0x34: {  	[smem:$0x3FB4] =	sst s10  }
0x35: {  	s10 =	sld [smem:$0x3FB3];
	_ =	sdelay $0x3  }
0x36: {  	p1 =	seq.s32 s10, $0x1;
	s10 =	sld [smem:$0x3FB4];
	_ =	sdelay $0x3  }
0x37: {  	[smem:$0x3FB4] =	sst s10  }
0x38: {  	s10 =	sld [smem:$0x3FB5]  }
0x39: {  	_ = 	snop;
	(pc) =	sbr.ind lr, $3  }
0x3a: {  	_ = 	snop  }
0x3b: {  	_ = 	snop  }
0x3c: {  	p2 =	seq.s32 s10, $0x1;
	s10 =	sld [smem:$0x3FB4]  }
0x3d: {  	_ =	shalt  }
0x3e: {  	_ =	shalt  }
0x3f: {  	_ =	shalt  }
0x40: {  	_ =	shalt  }
0x41: {  	_ =	shalt  }
0x42: {  	_ =	shalt  }
0x43: {  	_ =	shalt  }
0x44: {  	_ =	shalt  }
0x45: {  	_ =	shalt  }
0x46: {  	_ =	shalt  }
0x47: {  	_ =	shalt  }
0x48: {  	_ =	shalt  }
0x49: {  	_ =	shalt  }
0x4a: {  	_ =	shalt  }
0x4b: {  	_ =	shalt  }
0x4c: {  	_ =	shalt  }
0x4d: {  	_ =	shalt  }
0x4e: {  	_ =	shalt  }
0x4f: {  	_ =	shalt  }
0x50: {  	_ =	shalt  }
0x51: {  	_ =	shalt  }
0x52: {  	_ =	shalt  }
0x53: {  	_ =	shalt  }
0x54: {  	_ =	shalt  }
0x55: {  	_ =	shalt  }
0x56: {  	_ =	shalt  }
0x57: {  	_ =	shalt  }
0x58: {  	_ =	shalt  }
0x59: {  	_ =	shalt  }
0x5a: {  	_ =	shalt  }
0x5b: {  	_ =	shalt  }
0x5c: {  	_ =	shalt  }
0x5d: {  	_ =	shalt  }
0x5e: {  	_ =	shalt  }
0x5f: {  	_ =	shalt  }
0x60: {  	_ =	shalt  }
0x61: {  	_ =	shalt  }
0x62: {  	_ =	shalt  }
0x63: {  	_ =	shalt  }
0x64: {  	_ =	shalt  }
0x65: {  	_ =	shalt  }
0x66: {  	_ =	shalt  }
0x67: {  	_ =	shalt  }
0x68: {  	_ =	shalt  }
0x69: {  	_ =	shalt  }
0x6a: {  	_ =	shalt  }
0x6b: {  	_ =	shalt  }
0x6c: {  	_ =	shalt  }
0x6d: {  	_ =	shalt  }
0x6e: {  	_ =	shalt  }
0x6f: {  	_ =	shalt  }
0x70: {  	_ =	shalt  }
0x71: {  	_ =	shalt  }
0x72: {  	_ =	shalt  }
0x73: {  	_ =	shalt  }
0x74: {  	_ =	shalt  }
0x75: {  	_ =	shalt  }
0x76: {  	_ =	shalt  }
0x77: {  	_ =	shalt  }
0x78: {  	_ =	shalt  }
0x79: {  	_ =	shalt  }
0x7a: {  	_ =	shalt  }
0x7b: {  	_ =	shalt  }
0x7c: {  	_ =	shalt  }
0x7d: {  	_ =	shalt  }
0x7e: {  	_ =	shalt  }
0x7f: {  	_ =	shalt  }
0x80: {  	_ =	shalt  }
0x81: {  	_ =	shalt  }
0x82: {  	_ =	shalt  }
0x83: {  	_ =	shalt  }
0x84: {  	_ =	shalt  }
0x85: {  	_ =	shalt  }
0x86: {  	_ =	shalt  }
0x87: {  	_ =	shalt  }
.Lfunc_end0:
.L_simem_size_0:
called_computation.1_lowered:
.L_overlay_start_0:
0x88: {  	s2 =	sld [smem:$0x3FD9]  }
0x89: {  	s3 =	sld [smem:$0x3FFE];
	_ =	sdelay $0x1  }
0x8a: {  	s1 =	srdreg.scid  }
0x8b: {  	s0 =	sand.u32 $0x1, s1  }
0x8c: {  	s17 =	sshll.u32 s0, $0xA;
	s2 =	sadd.s32 s3, s2  }
0x8d: {  	s2 =	sadd.s32 s2, s17  }
0x8e: {  	[smem:$0x3FC0] =	sst s2  }
0x8f: {  	_ = 	snop  }
0x90: {  	s2 =	sld [smem:$0x3FD0];
	(tm) =	ssettm $0x1  }
0x91: {  	s18 =	sld [smem:$0x3FFB];
	_ =	sdelay $0x3  }
0x92: {  	_ =	strace s18  }
0x93: {  	s3 =	sld [smem:$0x3FFC];
	_ =	sdelay $0x3  }
0x94: {  	_ =	strace s3  }
0x95: {  	s3 =	sld [smem:$0x3FFD];
	_ =	sdelay $0x3  }
0x96: {  	_ =	strace s3  }
0x97: {  	_ =	strace $0x8FFFFFFF  }
0x98: {  	s19 =	sld [smem:$0x3FDB];
	_ =	sdelay $0x1  }
0x99: {  	s4 =	simm.s32 $_scs_section_size  }
0x9a: {  	s5 =	simm.s32 $_size__tile_overlayer_lowered;
	s6 =	simm.s32 $_tile_overlayer_lowered  }
0x9b: {  	s22 =	simm.s32 $0x1BFF;
	s21 =	sshll.u32 s6, $0x1;
	s3 =	sadd.s32 s4, s19  }
0x9c: {  	s7 =	simm.s32 $0x0;
	s20 =	sshll.u32 s5, $0x1;
	s5 =	sadd.s32 s21, s3  }
0x9d: {  	[timem:s7], [sflag:s22] =	dma.local [hbm:s5], s20  }
0x9e: {  	_ =	swait.ge [sflag:s22], s20  }
0x9f: {  	s4 =	ssub.s32 $0x0, s20;
	[sflag:s22] =	ssyncset.done $0x0  }
0xa0: {  	[sflag:s22] =	ssyncadd.s32 s4;
	_ =	sdelay $0x1  }
0xa1: {  	s23 =	simm.s32 $0x1B8B  }
0xa2: {  	_ =	swait.ge [sflag:s23], $0x1  }
0xa3: {  	[sflag:s23] =	ssyncset.done $0x0  }
0xa4: {  	s25 =	simm.s32 $0x1B8E;
	s24 =	sld [smem:$0x3FFE];
	[sflag:s23] =	ssyncadd.s32 $0xFFFFFFFF  }
0xa5: {  	s26 =	simm.s32 $execute0_lowered;
	[smem:$0x3FD2] =	sst s25  }
0xa6: {  	s5 =	sshll.u32 s26, $0x1;
	_ =	strace $0x80000049;
	[dreg:$0x1] =	wrdreg $0xFFFFFFFF  }
0xa7: {  	s28 =	simm.s32 $_size_execute0_lowered;
	s3 =	sadd.s32 s3, s5;
	[dreg:$0x0] =	wrdreg $0x0  }
0xa8: {  	s5 =	sshll.u32 s28, $0x1;
	[dreg:$0x2] =	wrdreg s3  }
0xa9: {  	[dreg:$0x3] =	wrdreg s5  }
0xaa: {  	[dreg:$0x4] =	wrdreg $0xC0  }
0xab: {  	_ =	task [dreg:s7], $0x5FFFF  }
0xac: {  	[dreg:$0x1] =	wrdreg $0xFFFFFFFF  }
0xad: {  	[dreg:$0x0] =	wrdreg $0x60  }
0xae: {  	[dreg:$0x2] =	wrdreg s24  }
0xaf: {  	[dreg:$0x3] =	wrdreg s2  }
0xb0: {  	[dreg:$0x4] =	wrdreg $0x9  }
0xb1: {  	_ =	task.clear_ibuf [dreg:s7], $0x5FFFF;
	_ =	strace $0x90000049  }
0xb2: {  	s29 =	simm.s32 $0x9;
	_ =	strace $0x8000004B  }
0xb3: {  	_ =	swait.ge [sflag:s29], $0x1  }
0xb4: {  	[sflag:s29] =	ssyncadd.s32 $0xFFFFFFFF  }
0xb5: {  	_ =	strace $0x9000004B  }
0xb6: {  	_ =	sfence  }
0xb7: {  	s30 =	sld [smem:$0x0];
	_ =	sdelay $0x2  }
0xb8: {  	s31 =	sshll.u32 s1, $0xD;
	s1 =	sshrl.u32 s1, $0x2  }
0xb9: {  	s3 =	sand.u32 $0x4000, s31;
	s1 =	sadd.s32 s1, s30  }
0xba: {  	s0 =	sor.u32 s3, s0;
	s1 =	sshll.u32 s1, $0x11  }
0xbb: {  	s0 =	sor.u32 s1, s0  }
0xbc: {  	s0 =	sadd.s32 $0x8F2B, s0  }
0xbd: {  	[sflag:s0] =	ssyncadd.remote.s32 $0x1  }
0xbe: {  	_ =	sfence.sel $0xFFFF  }
0xbf: {  	[dreg:$0x0] =	wrdreg $0xFFFFFFFF;
	(pc) =	sbr.abs _section_cstart, $3  }
0xc0: {  	[dreg:$0x1] =	wrdreg $0xFFFFFFFF  }
0xc1: {  	_ =	task.clear_ibuf [dreg:s7], $0x2FFFF;
	_ =	strace $0x9FFFFFFF  }
0xc2: {  	(tm) =	ssettm $0x7FFFFFFF  }
0xc3: {  	_ =	shalt  }
tec
execute0_lowered:
.L_overlay_start_1:
0x0: {  	(tag) =	ssettag $0x1  }
0x1: {  	s0 =	srdreg.scid;
	s1 =	rddreg [dreg:$0x0]  }
0x2: {  	s2 =	stileid.u32;
	s4 =	rddreg [dreg:$0x1];
	s10 =	simm.s32 $0x880  }
0x3: {  	s11 =	simm.s32 $0x1080;
	s12 =	simm.s32 $0x1880;
	s13 =	simm.s32 $0x2080  }
0x4: {  	s14 =	simm.s32 $0x2880;
	s15 =	simm.s32 $0x3080;
	s16 =	simm.s32 $0x3880  }
0x5: {  	s17 =	simm.s32 $0x4080;
	s18 =	simm.s32 $0x4880;
	s19 =	simm.s32 $0x5080  }
0x6: {  	s20 =	simm.s32 $0x5880;
	s21 =	simm.s32 $0x6080;
	s22 =	simm.s32 $0x6880  }
0x7: {  	s23 =	simm.s32 $0x7080;
	s28 =	simm.s32 $0x9080;
	s29 =	simm.s32 $0x9880  }
0x8: {  	s30 =	simm.s32 $0xA080;
	s31 =	simm.s32 $0xA880;
	s0 =	sand.u32 $0x1, s0  }
0x9: {  	s3 =	sshll.u32 s2, $0x4;
	s2 =	simm.s32 $0x0;
	s5 =	sshll.u32 s0, $0x3  }
0xa: {  	[smem:$0x7FF] =	sst s2;
	s0 =	ssub.s32 $0x2, s0;
	s3 =	sor.u32 s5, s3  }
0xb: {  	_ =	strace $0x8000004A;
	s24 =	sshrl.u32 s0, $0x1;
	s5 =	smul.u32 $0x300, s3  }
0xc: {  	s6 =	sadd.s32 s3, s1;
	s3 =	sadd.s32 $0xA2E00, s1;
	s0 =	ssub.s32 s0, s24  }
0xd: {  	s24 =	simm.s32 $0x7880;
	s8 =	sadd.s32 $0x12A00, s6;
	s25 =	sadd.s32 $0x12C00, s6  }
0xe: {  	s6 =	smax.u32 s0, $0x1;
	s0 =	simm.s32 $0x1;
	[dreg:$0x3] =	wrdreg s8  }
0xf: {  	s7 =	sadd.s32 s5, s1;
	s4 =	sadd.s32 s4, s5;
	[dreg:$0x5] =	wrdreg s25  }
0x10: {  	v2 =	vlaneseq.u32;
	s5 =	sadd.s32 $0xA3000, s1;
	s25 =	simm.s32 $0x8080;
	[dreg:$0x4] =	wrdreg s4  }
0x11: {  	vm0 =	vmmov $0xffff;
	v1 =	vshrl.u32 v2, $0x3;
	s26 =	sadd.s32 $0x12E00, s7;
	s4 =	sadd.s32 $0xA2F00, s1;
	s7 =	simm.s32 $0x2  }
0x12: {  	v0 =	vand.u32 $0x7, v2;
	v2 =	vor.u32 $0x8, v2;
	v1 =	vmul.u32 $0x8, v1;
	s1 =	simm.s32 $0x80;
	[dreg:$0x6] =	wrdreg s26;
	s26 =	simm.s32 $0x8880  }
.LBB2_1:
0x13: {  	s9 =	rddreg [dreg:$0x3]  }
0x14: {  	[tilespmem:s2], [sflag:$0x2] =	stream.linear.gather [hbm4b:s9+s2], $0x40, $0x38;
	[tilespmem:$0xC080] =	vst v63  }
0x15: {  	_ =	swait.ge [sflag:s7], $0x40  }
0x16: {  	[sflag:s7] =	ssyncset.done $0x0  }
0x17: {  	[sflag:s7] =	ssyncadd.s32 $0xFFFFFFC0  }
0x18: {  	v3 =	vld [tilespmem:$0x0];
	_ =	sdelay $0x4  }
0x19: {  	v4 =	vshrl.u32 v3, $0x3  }
0x1a: {  	v4 =	vmul.u32 $0x30, v4  }
0x1b: {  	v3 =	vand.u32 $0x7, v3  }
0x1c: {  	v3 =	vor.u32 v3, v4  }
0x1d: {  	v4 =	vperm.xlane v3, v0;
	_ =	sdelay $0x1  }
0x1e: {  	v4 =	vadd.s32 v1, v4;
	_ =	sdelay $0x3  }
0x1f: {  	v3 =	vperm.xlane v3, v2  }
0x20: {  	[tilespmem:s1], [sflag:$0x1] =	stream.indirect_vreg.gather [hbm4b:s3+s2], $0x80, v4, vm0, $0xb8;
	[tilespmem:$0xC080] =	vst v63  }
0x21: {  	v3 =	vadd.s32 v1, v3  }
0x22: {  	[tilespmem:s10], [sflag:$0x1] =	stream.indirect_vreg.gather [hbm4b:s4+s2], $0x80, v4, vm0, $0xb8;
	[tilespmem:$0xC080] =	vst v63  }
0x23: {  	_ = 	snop  }
0x24: {  	[tilespmem:s11], [sflag:$0x1] =	stream.indirect_vreg.gather [hbm4b:s5+s2], $0x80, v4, vm0, $0xb8;
	[tilespmem:$0xC080] =	vst v63  }
0x25: {  	_ = 	snop  }
0x26: {  	[tilespmem:s12], [sflag:$0x1] =	stream.indirect_vreg.gather [hbm4b:s3+s2], $0x80, v3, vm0, $0xb8;
	[tilespmem:$0xC080] =	vst v63  }
0x27: {  	_ = 	snop  }
0x28: {  	[tilespmem:s13], [sflag:$0x1] =	stream.indirect_vreg.gather [hbm4b:s4+s2], $0x80, v3, vm0, $0xb8;
	[tilespmem:$0xC080] =	vst v63  }
0x29: {  	_ = 	snop  }
0x2a: {  	[tilespmem:s14], [sflag:$0x1] =	stream.indirect_vreg.gather [hbm4b:s5+s2], $0x80, v3, vm0, $0xb8;
	[tilespmem:$0xC080] =	vst v63  }
0x2b: {  	v3 =	vld [tilespmem:$0x10];
	_ =	sdelay $0x4  }
0x2c: {  	v57 =	vshrl.u32 v3, $0x3  }
0x2d: {  	v4 =	vmul.u32 $0x30, v57  }
0x2e: {  	v3 =	vand.u32 $0x7, v3  }
0x2f: {  	v3 =	vor.u32 v3, v4  }
0x30: {  	v4 =	vperm.xlane v3, v0;
	_ =	sdelay $0x1  }
0x31: {  	v4 =	vadd.s32 v1, v4;
	_ =	sdelay $0x3  }
0x32: {  	v3 =	vperm.xlane v3, v2  }
0x33: {  	[tilespmem:s15], [sflag:$0x1] =	stream.indirect_vreg.gather [hbm4b:s3+s2], $0x80, v4, vm0, $0xb8;
	[tilespmem:$0xC080] =	vst v63  }
0x34: {  	v3 =	vadd.s32 v1, v3  }
0x35: {  	[tilespmem:s16], [sflag:$0x1] =	stream.indirect_vreg.gather [hbm4b:s4+s2], $0x80, v4, vm0, $0xb8;
	[tilespmem:$0xC080] =	vst v63  }
0x36: {  	_ = 	snop  }
0x37: {  	[tilespmem:s17], [sflag:$0x1] =	stream.indirect_vreg.gather [hbm4b:s5+s2], $0x80, v4, vm0, $0xb8;
	[tilespmem:$0xC080] =	vst v63  }
0x38: {  	_ = 	snop  }
0x39: {  	[tilespmem:s18], [sflag:$0x1] =	stream.indirect_vreg.gather [hbm4b:s3+s2], $0x80, v3, vm0, $0xb8;
	[tilespmem:$0xC080] =	vst v63  }
0x3a: {  	_ = 	snop  }
0x3b: {  	[tilespmem:s19], [sflag:$0x1] =	stream.indirect_vreg.gather [hbm4b:s4+s2], $0x80, v3, vm0, $0xb8;
	[tilespmem:$0xC080] =	vst v63  }
0x3c: {  	_ = 	snop  }
0x3d: {  	[tilespmem:s20], [sflag:$0x1] =	stream.indirect_vreg.gather [hbm4b:s5+s2], $0x80, v3, vm0, $0xb8;
	[tilespmem:$0xC080] =	vst v63  }
0x3e: {  	v3 =	vld [tilespmem:$0x20];
	_ =	sdelay $0x4  }
0x3f: {  	v58 =	vshrl.u32 v3, $0x3  }
0x40: {  	v4 =	vmul.u32 $0x30, v58  }
0x41: {  	v3 =	vand.u32 $0x7, v3  }
0x42: {  	v3 =	vor.u32 v3, v4  }
0x43: {  	v4 =	vperm.xlane v3, v0;
	_ =	sdelay $0x1  }
0x44: {  	v4 =	vadd.s32 v1, v4;
	_ =	sdelay $0x3  }
0x45: {  	v3 =	vperm.xlane v3, v2  }
0x46: {  	[tilespmem:s21], [sflag:$0x1] =	stream.indirect_vreg.gather [hbm4b:s3+s2], $0x80, v4, vm0, $0xb8;
	[tilespmem:$0xC080] =	vst v63  }
0x47: {  	v3 =	vadd.s32 v1, v3  }
0x48: {  	[tilespmem:s22], [sflag:$0x1] =	stream.indirect_vreg.gather [hbm4b:s4+s2], $0x80, v4, vm0, $0xb8;
	[tilespmem:$0xC080] =	vst v63  }
0x49: {  	_ = 	snop  }
0x4a: {  	[tilespmem:s23], [sflag:$0x1] =	stream.indirect_vreg.gather [hbm4b:s5+s2], $0x80, v4, vm0, $0xb8;
	[tilespmem:$0xC080] =	vst v63  }
0x4b: {  	_ = 	snop  }
0x4c: {  	[tilespmem:s24], [sflag:$0x1] =	stream.indirect_vreg.gather [hbm4b:s3+s2], $0x80, v3, vm0, $0xb8;
	[tilespmem:$0xC080] =	vst v63  }
0x4d: {  	_ = 	snop  }
0x4e: {  	[tilespmem:s25], [sflag:$0x1] =	stream.indirect_vreg.gather [hbm4b:s4+s2], $0x80, v3, vm0, $0xb8;
	[tilespmem:$0xC080] =	vst v63  }
0x4f: {  	_ = 	snop  }
0x50: {  	[tilespmem:s26], [sflag:$0x1] =	stream.indirect_vreg.gather [hbm4b:s5+s2], $0x80, v3, vm0, $0xb8;
	[tilespmem:$0xC080] =	vst v63  }
0x51: {  	v3 =	vld [tilespmem:$0x30];
	_ =	sdelay $0x4  }
0x52: {  	v59 =	vshrl.u32 v3, $0x3  }
0x53: {  	v4 =	vmul.u32 $0x30, v59  }
0x54: {  	v3 =	vand.u32 $0x7, v3  }
0x55: {  	v3 =	vor.u32 v3, v4  }
0x56: {  	v4 =	vperm.xlane v3, v0;
	_ =	sdelay $0x1  }
0x57: {  	v4 =	vadd.s32 v1, v4;
	_ =	sdelay $0x3  }
0x58: {  	v3 =	vperm.xlane v3, v2  }
0x59: {  	[tilespmem:s28], [sflag:$0x1] =	stream.indirect_vreg.gather [hbm4b:s3+s2], $0x80, v4, vm0, $0xb8;
	[tilespmem:$0xC080] =	vst v63  }
0x5a: {  	v3 =	vadd.s32 v1, v3  }
0x5b: {  	[tilespmem:s29], [sflag:$0x1] =	stream.indirect_vreg.gather [hbm4b:s4+s2], $0x80, v4, vm0, $0xb8;
	[tilespmem:$0xC080] =	vst v63  }
0x5c: {  	_ = 	snop  }
0x5d: {  	[tilespmem:s30], [sflag:$0x1] =	stream.indirect_vreg.gather [hbm4b:s5+s2], $0x80, v4, vm0, $0xb8;
	[tilespmem:$0xC080] =	vst v63  }
0x5e: {  	_ = 	snop  }
0x5f: {  	[tilespmem:s31], [sflag:$0x1] =	stream.indirect_vreg.gather [hbm4b:s3+s2], $0x80, v3, vm0, $0xb8;
	[tilespmem:$0xC080] =	vst v63  }
0x60: {  	s8 =	simm.s32 $0xB080  }
0x61: {  	[tilespmem:s8], [sflag:$0x1] =	stream.indirect_vreg.gather [hbm4b:s4+s2], $0x80, v3, vm0, $0xb8;
	[tilespmem:$0xC080] =	vst v63  }
0x62: {  	s8 =	simm.s32 $0xB880  }
0x63: {  	[tilespmem:s8], [sflag:$0x1] =	stream.indirect_vreg.gather [hbm4b:s5+s2], $0x80, v3, vm0, $0xb8;
	[tilespmem:$0xC080] =	vst v63  }
0x64: {  	_ =	swait.ge [sflag:s0], $0xC000  }
0x65: {  	[sflag:s0] =	ssyncset.done $0x0  }
0x66: {  	s9 =	rddreg [dreg:$0x4];
	[sflag:s0] =	ssyncadd.s32 $0xFFFF4000  }
0x67: {  	[hbm4b:s9+s2] =	stream.linear.scatter [tilespmem:s1], [sflag:$0x2], $0xC000, $0x38;
	[tilespmem:$0xC080] =	vst v63  }
0x68: {  	_ =	swait.ge [sflag:s7], $0xC000  }
0x69: {  	[sflag:s7] =	ssyncset.done $0x0  }
0x6a: {  	s9 =	rddreg [dreg:$0x5];
	[sflag:s7] =	ssyncadd.s32 $0xFFFF4000  }
0x6b: {  	[tilespmem:s2], [sflag:$0x2] =	stream.linear.gather [hbm4b:s9+s2], $0x40, $0x38;
	[tilespmem:$0xC080] =	vst v63  }
0x6c: {  	_ =	swait.ge [sflag:s7], $0x40  }
0x6d: {  	[sflag:s7] =	ssyncset.done $0x0  }
0x6e: {  	[sflag:s7] =	ssyncadd.s32 $0xFFFFFFC0  }
0x6f: {  	v3 =	vld [tilespmem:$0x0];
	_ =	sdelay $0x4  }
0x70: {  	v60 =	vshrl.u32 v3, $0x3  }
0x71: {  	v4 =	vmul.u32 $0x30, v60  }
0x72: {  	v3 =	vand.u32 $0x7, v3  }
0x73: {  	v3 =	vor.u32 v3, v4  }
0x74: {  	v4 =	vperm.xlane v3, v0;
	_ =	sdelay $0x1  }
0x75: {  	v4 =	vadd.s32 v1, v4;
	_ =	sdelay $0x3  }
0x76: {  	v3 =	vperm.xlane v3, v2  }
0x77: {  	[tilespmem:s1], [sflag:$0x1] =	stream.indirect_vreg.gather [hbm4b:s3+s2], $0x80, v4, vm0, $0xb8;
	[tilespmem:$0xC080] =	vst v63  }
0x78: {  	v3 =	vadd.s32 v1, v3  }
0x79: {  	[tilespmem:s10], [sflag:$0x1] =	stream.indirect_vreg.gather [hbm4b:s4+s2], $0x80, v4, vm0, $0xb8;
	[tilespmem:$0xC080] =	vst v63  }
0x7a: {  	_ = 	snop  }
0x7b: {  	[tilespmem:s11], [sflag:$0x1] =	stream.indirect_vreg.gather [hbm4b:s5+s2], $0x80, v4, vm0, $0xb8;
	[tilespmem:$0xC080] =	vst v63  }
0x7c: {  	_ = 	snop  }
0x7d: {  	[tilespmem:s12], [sflag:$0x1] =	stream.indirect_vreg.gather [hbm4b:s3+s2], $0x80, v3, vm0, $0xb8;
	[tilespmem:$0xC080] =	vst v63  }
0x7e: {  	_ = 	snop  }
0x7f: {  	[tilespmem:s13], [sflag:$0x1] =	stream.indirect_vreg.gather [hbm4b:s4+s2], $0x80, v3, vm0, $0xb8;
	[tilespmem:$0xC080] =	vst v63  }
0x80: {  	_ = 	snop  }
0x81: {  	[tilespmem:s14], [sflag:$0x1] =	stream.indirect_vreg.gather [hbm4b:s5+s2], $0x80, v3, vm0, $0xb8;
	[tilespmem:$0xC080] =	vst v63  }
0x82: {  	v3 =	vld [tilespmem:$0x10];
	_ =	sdelay $0x4  }
0x83: {  	v61 =	vshrl.u32 v3, $0x3  }
0x84: {  	v4 =	vmul.u32 $0x30, v61  }
0x85: {  	v3 =	vand.u32 $0x7, v3  }
0x86: {  	v3 =	vor.u32 v3, v4  }
0x87: {  	v4 =	vperm.xlane v3, v0;
	_ =	sdelay $0x1  }
0x88: {  	v4 =	vadd.s32 v1, v4;
	_ =	sdelay $0x3  }
0x89: {  	v3 =	vperm.xlane v3, v2  }
0x8a: {  	[tilespmem:s15], [sflag:$0x1] =	stream.indirect_vreg.gather [hbm4b:s3+s2], $0x80, v4, vm0, $0xb8;
	[tilespmem:$0xC080] =	vst v63  }
0x8b: {  	v3 =	vadd.s32 v1, v3  }
0x8c: {  	[tilespmem:s16], [sflag:$0x1] =	stream.indirect_vreg.gather [hbm4b:s4+s2], $0x80, v4, vm0, $0xb8;
	[tilespmem:$0xC080] =	vst v63  }
0x8d: {  	_ = 	snop  }
0x8e: {  	[tilespmem:s17], [sflag:$0x1] =	stream.indirect_vreg.gather [hbm4b:s5+s2], $0x80, v4, vm0, $0xb8;
	[tilespmem:$0xC080] =	vst v63  }
0x8f: {  	_ = 	snop  }
0x90: {  	[tilespmem:s18], [sflag:$0x1] =	stream.indirect_vreg.gather [hbm4b:s3+s2], $0x80, v3, vm0, $0xb8;
	[tilespmem:$0xC080] =	vst v63  }
0x91: {  	_ = 	snop  }
0x92: {  	[tilespmem:s19], [sflag:$0x1] =	stream.indirect_vreg.gather [hbm4b:s4+s2], $0x80, v3, vm0, $0xb8;
	[tilespmem:$0xC080] =	vst v63  }
0x93: {  	_ = 	snop  }
0x94: {  	[tilespmem:s20], [sflag:$0x1] =	stream.indirect_vreg.gather [hbm4b:s5+s2], $0x80, v3, vm0, $0xb8;
	[tilespmem:$0xC080] =	vst v63  }
0x95: {  	v3 =	vld [tilespmem:$0x20];
	_ =	sdelay $0x4  }
0x96: {  	v62 =	vshrl.u32 v3, $0x3  }
0x97: {  	v4 =	vmul.u32 $0x30, v62  }
0x98: {  	v3 =	vand.u32 $0x7, v3  }
0x99: {  	v3 =	vor.u32 v3, v4  }
0x9a: {  	v4 =	vperm.xlane v3, v0;
	_ =	sdelay $0x1  }
0x9b: {  	v4 =	vadd.s32 v1, v4;
	_ =	sdelay $0x3  }
0x9c: {  	v3 =	vperm.xlane v3, v2  }
0x9d: {  	[tilespmem:s21], [sflag:$0x1] =	stream.indirect_vreg.gather [hbm4b:s3+s2], $0x80, v4, vm0, $0xb8;
	[tilespmem:$0xC080] =	vst v63  }
0x9e: {  	v3 =	vadd.s32 v1, v3  }
0x9f: {  	[tilespmem:s22], [sflag:$0x1] =	stream.indirect_vreg.gather [hbm4b:s4+s2], $0x80, v4, vm0, $0xb8;
	[tilespmem:$0xC080] =	vst v63  }
0xa0: {  	_ = 	snop  }
0xa1: {  	[tilespmem:s23], [sflag:$0x1] =	stream.indirect_vreg.gather [hbm4b:s5+s2], $0x80, v4, vm0, $0xb8;
	[tilespmem:$0xC080] =	vst v63  }
0xa2: {  	_ = 	snop  }
0xa3: {  	[tilespmem:s24], [sflag:$0x1] =	stream.indirect_vreg.gather [hbm4b:s3+s2], $0x80, v3, vm0, $0xb8;
	[tilespmem:$0xC080] =	vst v63  }
0xa4: {  	_ = 	snop  }
0xa5: {  	[tilespmem:s25], [sflag:$0x1] =	stream.indirect_vreg.gather [hbm4b:s4+s2], $0x80, v3, vm0, $0xb8;
	[tilespmem:$0xC080] =	vst v63  }
0xa6: {  	_ = 	snop  }
0xa7: {  	[tilespmem:s26], [sflag:$0x1] =	stream.indirect_vreg.gather [hbm4b:s5+s2], $0x80, v3, vm0, $0xb8;
	[tilespmem:$0xC080] =	vst v63  }
0xa8: {  	v3 =	vld [tilespmem:$0x30];
	_ =	sdelay $0x4  }
0xa9: {  	v63 =	vshrl.u32 v3, $0x3  }
0xaa: {  	v4 =	vmul.u32 $0x30, v63  }
0xab: {  	v3 =	vand.u32 $0x7, v3  }
0xac: {  	v3 =	vor.u32 v3, v4  }
0xad: {  	v4 =	vperm.xlane v3, v0;
	_ =	sdelay $0x1  }
0xae: {  	v4 =	vadd.s32 v1, v4;
	_ =	sdelay $0x3  }
0xaf: {  	v3 =	vperm.xlane v3, v2  }
0xb0: {  	[tilespmem:s28], [sflag:$0x1] =	stream.indirect_vreg.gather [hbm4b:s3+s2], $0x80, v4, vm0, $0xb8;
	[tilespmem:$0xC080] =	vst v63  }
0xb1: {  	v3 =	vadd.s32 v1, v3  }
0xb2: {  	[tilespmem:s29], [sflag:$0x1] =	stream.indirect_vreg.gather [hbm4b:s4+s2], $0x80, v4, vm0, $0xb8;
	[tilespmem:$0xC080] =	vst v63  }
0xb3: {  	_ = 	snop  }
0xb4: {  	[tilespmem:s30], [sflag:$0x1] =	stream.indirect_vreg.gather [hbm4b:s5+s2], $0x80, v4, vm0, $0xb8;
	[tilespmem:$0xC080] =	vst v63  }
0xb5: {  	_ = 	snop  }
0xb6: {  	[tilespmem:s31], [sflag:$0x1] =	stream.indirect_vreg.gather [hbm4b:s3+s2], $0x80, v3, vm0, $0xb8;
	[tilespmem:$0xC080] =	vst v63  }
0xb7: {  	s9 =	simm.s32 $0xB080  }
0xb8: {  	[tilespmem:s9], [sflag:$0x1] =	stream.indirect_vreg.gather [hbm4b:s4+s2], $0x80, v3, vm0, $0xb8;
	[tilespmem:$0xC080] =	vst v63  }
0xb9: {  	_ = 	snop  }
0xba: {  	[tilespmem:s8], [sflag:$0x1] =	stream.indirect_vreg.gather [hbm4b:s5+s2], $0x80, v3, vm0, $0xb8;
	[tilespmem:$0xC080] =	vst v63  }
0xbb: {  	_ =	swait.ge [sflag:s0], $0xC000  }
0xbc: {  	p0 =	sne.s32 s6, $0x1;
	[sflag:s0] =	ssyncset.done $0x0  }
.Ltmp0:
0xbd: {  	s8 =	rddreg [dreg:$0x6];
	[sflag:s0] =	ssyncadd.s32 $0xFFFF4000;
	(pc) =	sbr.rel @p0 .LBB2_1-.Ltmp0, $4  }
0xbe: {  	[hbm4b:s8+s2] =	stream.linear.scatter [tilespmem:s1], [sflag:$0x2], $0xC000, $0x38;
	[tilespmem:$0xC080] =	vst v63  }
0xbf: {  	_ =	swait.ge [sflag:s7], $0xC000  }
0xc0: {  	[sflag:s7] =	ssyncset.done $0x0  }
0xc1: {  	s6 =	sadd.s32 $0xFFFFFFFF, s6;
	[sflag:s7] =	ssyncadd.s32 $0xFFFF4000  }
0xc2: {  	_ =	sfence.sel $0x180000  }
0xc3: {  	[bflag:$0x0] =	sbarrier.arrive $0xFFFF  }
0xc4: {  	_ =	strace $0x9000004A  }
0xc5: {  	s0 =	stileid.u32;
	[bflag:$0x2] =	sbarrier.arrive $0xFFFF  }
0xc6: {  	p0 =	sne.s32 s0, $0x0;
	s0 =	rddreg [dreg:$0x2]  }
0xc7: {  	s0 =	sadd.s32 @!p0 $0x100000, s0  }
0xc8: {  	[sflag:s0] =	ssyncadd.tile.s32 @!p0 $0x1;
	_ =	shalt  }
.Lfunc_end2:
_tile_overlayer_lowered:
.L_overlay_start_2:
0xc9: {  	(tag) =	ssettag $0x2  }
0xca: {  	s0 =	rddreg [dreg:$0x0];
	s2 =	stileid.u32  }
0xcb: {  	s1 =	rddreg [dreg:$0x1];
	p0 =	sne.s32 s2, $0x0  }
0xcc: {  	s3 =	rddreg [dreg:$0x2];
	[bflag:$0x3] =	sbarrier.arrive $0xFFFF;
	s2 =	simm.s32 @!p0 $0x1C02  }
0xcd: {  	[timem:s3], [sflag:s2] =	dma.local @!p0 [hbm:s0], s1  }
0xce: {  	s0 =	simm.s32 @!p0 $0x2  }
0xcf: {  	_ =	swait.ge @!p0 [sflag:s0], s1  }
0xd0: {  	s1 =	ssub.s32 @!p0 $0x0, s1;
	[sflag:s0] =	ssyncset.done @!p0 $0x0  }
0xd1: {  	[sflag:s0] =	ssyncadd.s32 @!p0 s1  }
0xd2: {  	[bflag:$0x3] =	sbarrier.arrive $0xFFFF  }
0xd3: {  	_ =	shalt  }

// kernel: kernel.8.cloned.1.call-start
scs
__scs_entry_jumppad:
0x0: {  	(pc) =	sbr.rel $0x88, $3  }
0x1: {  	(tag) =	ssettag $0x0;
	lr =	simm.s32 $0x1  }
0x2: {  	[smem:$0x3F99] =	sst lr;
	_ =	strace $0xD0000000  }
0x3: {  	_ = 	snop  }
0x4: {  	_ = 	snop  }
0x5: {  	_ = 	snop  }
0x6: {  	_ = 	snop  }
0x7: {  	_ = 	snop  }
__scs_overlays_trampoline_lowered:
0x8: {  	[smem:$0x3FA8] =	sst s0  }
0x9: {  	[smem:$0x3FA9] =	sst s1  }
0xa: {  	[smem:$0x3FAA] =	sst s2  }
0xb: {  	[smem:$0x3FAB] =	sst s3  }
0xc: {  	[smem:$0x3FAC] =	sst s4  }
0xd: {  	[smem:$0x3FAD] =	sst s5  }
0xe: {  	[smem:$0x3FAE] =	sst s6  }
0xf: {  	[smem:$0x3FAF] =	sst s7  }
0x10: {  	[smem:$0x3FB0] =	sst s8  }
0x11: {  	[smem:$0x3FB1] =	sst s9;
	s0 =	simm.s32 @!p0 $0x0  }
0x12: {  	s1 =	sld [smem:$0x3F97];
	s0 =	simm.s32 @p0 $0x1  }
0x13: {  	[smem:$0x3FB2] =	sst s0;
	s0 =	simm.s32 @!p1 $0x0  }
0x14: {  	s2 =	sld [smem:$0x3F96];
	s0 =	simm.s32 @p1 $0x1  }
0x15: {  	[smem:$0x3FB3] =	sst s0;
	s0 =	simm.s32 @!p2 $0x0  }
0x16: {  	s3 =	sld [smem:$0x3FDB];
	s0 =	simm.s32 @p2 $0x1  }
0x17: {  	s4 =	simm.s32 $0x1BF5;
	[smem:$0x3FB5] =	sst s0  }
0x18: {  	s0 =	sld [smem:$0x3F98];
	_ =	swait.ge [sflag:s4], $0x0  }
0x19: {  	s7 =	sld [smem:$0x3F99]  }
0x1a: {  	s8 =	sadd.s32 $0xFFFFE003, lr  }
0x1b: {  	s9 =	sadd.s32 $0xFFFFFEF7, lr;
	s5 =	simm.s32 $0xFFFFFFFF;
	p2 =	slt.u32 s8, $0xFFFFF086  }
0x1c: {  	p1 =	slt.u32 s9, $0xF7A;
	s5 =	simm.s32 @!p2 $0x0  }
0x1d: {  	s5 =	simm.s32 @p1 $0x1;
	p0 =	seq.s32 s7, s2  }
0x1e: {  	s7 =	smul.u32 @!p0 $0xF7A, s2;
	p2 =	seq.s32 @!p0 s5, $0x0  }
0x1f: {  	s9 =	smul.u32 $0xF7A, s1;
	s8 =	simm.s32 @!p0 $0x1BF5;
	p2 =	por !p2, p0  }
0x20: {  	[sflag:s8] =	ssyncset.s32 @!p0 $0xFFFFF086;
	s6 =	sadd.s32 @!p0 s3, s7;
	s7 =	simm.s32 @!p0 $0x108  }
0x21: {  	s3 =	sadd.s32 s3, s9;
	s6 =	sadd.s32 @!p0 $0x88, s6;
	s7 =	simm.s32 @p2 $0x1082  }
0x22: {  	[simem:s7], [sflag:s8] =	dma.local @!p0 [hbm:s6], $0xF7A  }
0x23: {  	s9 =	sor.u32 $0xD0000000, s2;
	s6 =	simm.s32 $0x108;
	_ =	swait.ge @!p0 [sflag:s8], $0x0  }
0x24: {  	s3 =	sadd.s32 $0x88, s3;
	s6 =	simm.s32 @!p1 $0x1082;
	[sflag:s4] =	ssyncset.s32 $0xFFFFF086  }
0x25: {  	[simem:s6], [sflag:s4] =	dma.local [hbm:s3], $0xF7A  }
0x26: {  	[smem:$0x3F99] =	sst s1;
	(tag) =	ssettag s2;
	_ =	strace s9  }
0x27: {  	s1 =	sld [smem:$0x3FA9]  }
0x28: {  	s2 =	sld [smem:$0x3FAA]  }
0x29: {  	s4 =	sld [smem:$0x3FAC]  }
0x2a: {  	p0 =	seq.s32 s5, $0x0;
	s5 =	sld [smem:$0x3FAD]  }
0x2b: {  	s6 =	sld [smem:$0x3FAE]  }
0x2c: {  	s7 =	sld [smem:$0x3FAF]  }
0x2d: {  	s3 =	simm.s32 $0x108;
	s8 =	sld [smem:$0x3FB0]  }
0x2e: {  	s3 =	simm.s32 @!p0 $0x1082;
	s9 =	sld [smem:$0x3FB1]  }
0x2f: {  	lr =	sadd.s32 s0, s3;
	s0 =	sld [smem:$0x3FA8]  }
0x30: {  	s3 =	sld [smem:$0x3FAB]  }
0x31: {  	[smem:$0x3FB4] =	sst s10  }
0x32: {  	s10 =	sld [smem:$0x3FB2];
	_ =	sdelay $0x3  }
0x33: {  	p0 =	seq.s32 s10, $0x1;
	s10 =	sld [smem:$0x3FB4];
	_ =	sdelay $0x3  }
0x34: {  	[smem:$0x3FB4] =	sst s10  }
0x35: {  	s10 =	sld [smem:$0x3FB3];
	_ =	sdelay $0x3  }
0x36: {  	p1 =	seq.s32 s10, $0x1;
	s10 =	sld [smem:$0x3FB4];
	_ =	sdelay $0x3  }
0x37: {  	[smem:$0x3FB4] =	sst s10  }
0x38: {  	s10 =	sld [smem:$0x3FB5]  }
0x39: {  	_ = 	snop;
	(pc) =	sbr.ind lr, $3  }
0x3a: {  	_ = 	snop  }
0x3b: {  	_ = 	snop  }
0x3c: {  	p2 =	seq.s32 s10, $0x1;
	s10 =	sld [smem:$0x3FB4]  }
0x3d: {  	_ =	shalt  }
0x3e: {  	_ =	shalt  }
0x3f: {  	_ =	shalt  }
0x40: {  	_ =	shalt  }
0x41: {  	_ =	shalt  }
0x42: {  	_ =	shalt  }
0x43: {  	_ =	shalt  }
0x44: {  	_ =	shalt  }
0x45: {  	_ =	shalt  }
0x46: {  	_ =	shalt  }
0x47: {  	_ =	shalt  }
0x48: {  	_ =	shalt  }
0x49: {  	_ =	shalt  }
0x4a: {  	_ =	shalt  }
0x4b: {  	_ =	shalt  }
0x4c: {  	_ =	shalt  }
0x4d: {  	_ =	shalt  }
0x4e: {  	_ =	shalt  }
0x4f: {  	_ =	shalt  }
0x50: {  	_ =	shalt  }
0x51: {  	_ =	shalt  }
0x52: {  	_ =	shalt  }
0x53: {  	_ =	shalt  }
0x54: {  	_ =	shalt  }
0x55: {  	_ =	shalt  }
0x56: {  	_ =	shalt  }
0x57: {  	_ =	shalt  }
0x58: {  	_ =	shalt  }
0x59: {  	_ =	shalt  }
0x5a: {  	_ =	shalt  }
0x5b: {  	_ =	shalt  }
0x5c: {  	_ =	shalt  }
0x5d: {  	_ =	shalt  }
0x5e: {  	_ =	shalt  }
0x5f: {  	_ =	shalt  }
0x60: {  	_ =	shalt  }
0x61: {  	_ =	shalt  }
0x62: {  	_ =	shalt  }
0x63: {  	_ =	shalt  }
0x64: {  	_ =	shalt  }
0x65: {  	_ =	shalt  }
0x66: {  	_ =	shalt  }
0x67: {  	_ =	shalt  }
0x68: {  	_ =	shalt  }
0x69: {  	_ =	shalt  }
0x6a: {  	_ =	shalt  }
0x6b: {  	_ =	shalt  }
0x6c: {  	_ =	shalt  }
0x6d: {  	_ =	shalt  }
0x6e: {  	_ =	shalt  }
0x6f: {  	_ =	shalt  }
0x70: {  	_ =	shalt  }
0x71: {  	_ =	shalt  }
0x72: {  	_ =	shalt  }
0x73: {  	_ =	shalt  }
0x74: {  	_ =	shalt  }
0x75: {  	_ =	shalt  }
0x76: {  	_ =	shalt  }
0x77: {  	_ =	shalt  }
0x78: {  	_ =	shalt  }
0x79: {  	_ =	shalt  }
0x7a: {  	_ =	shalt  }
0x7b: {  	_ =	shalt  }
0x7c: {  	_ =	shalt  }
0x7d: {  	_ =	shalt  }
0x7e: {  	_ =	shalt  }
0x7f: {  	_ =	shalt  }
0x80: {  	_ =	shalt  }
0x81: {  	_ =	shalt  }
0x82: {  	_ =	shalt  }
0x83: {  	_ =	shalt  }
0x84: {  	_ =	shalt  }
0x85: {  	_ =	shalt  }
0x86: {  	_ =	shalt  }
0x87: {  	_ =	shalt  }
.Lfunc_end0:
.L_simem_size_0:
called_computation_lowered:
.L_overlay_start_0:
0x88: {  	s2 =	sld [smem:$0x3FD9]  }
0x89: {  	s3 =	sld [smem:$0x3FFE];
	_ =	sdelay $0x1  }
0x8a: {  	s1 =	srdreg.scid  }
0x8b: {  	s0 =	sand.u32 $0x1, s1  }
0x8c: {  	s17 =	sshll.u32 s0, $0xA;
	s2 =	sadd.s32 s3, s2  }
0x8d: {  	s2 =	sadd.s32 s2, s17  }
0x8e: {  	[smem:$0x3FC0] =	sst s2  }
0x8f: {  	_ = 	snop  }
0x90: {  	s2 =	sld [smem:$0x3FC9];
	(tm) =	ssettm $0x1  }
0x91: {  	s18 =	sld [smem:$0x3FFB];
	_ =	sdelay $0x3  }
0x92: {  	_ =	strace s18  }
0x93: {  	s3 =	sld [smem:$0x3FFC];
	_ =	sdelay $0x3  }
0x94: {  	_ =	strace s3  }
0x95: {  	s3 =	sld [smem:$0x3FFD];
	_ =	sdelay $0x3  }
0x96: {  	_ =	strace s3  }
0x97: {  	_ =	strace $0x8FFFFFFF  }
0x98: {  	s19 =	sld [smem:$0x3FDB];
	_ =	sdelay $0x1  }
0x99: {  	s4 =	simm.s32 $_scs_section_size  }
0x9a: {  	s5 =	simm.s32 $_size__tile_overlayer_lowered;
	s6 =	simm.s32 $_tile_overlayer_lowered  }
0x9b: {  	s22 =	simm.s32 $0x1BFF;
	s21 =	sshll.u32 s6, $0x1;
	s3 =	sadd.s32 s4, s19  }
0x9c: {  	s7 =	simm.s32 $0x0;
	s20 =	sshll.u32 s5, $0x1;
	s5 =	sadd.s32 s21, s3  }
0x9d: {  	[timem:s7], [sflag:s22] =	dma.local [hbm:s5], s20  }
0x9e: {  	_ =	swait.ge [sflag:s22], s20  }
0x9f: {  	s4 =	ssub.s32 $0x0, s20;
	[sflag:s22] =	ssyncset.done $0x0  }
0xa0: {  	[sflag:s22] =	ssyncadd.s32 s4;
	_ =	sdelay $0x1  }
0xa1: {  	s23 =	simm.s32 $0x1B8B  }
0xa2: {  	_ =	swait.ge [sflag:s23], $0x1  }
0xa3: {  	[sflag:s23] =	ssyncset.done $0x0  }
0xa4: {  	s25 =	simm.s32 $0x1B8E;
	s24 =	sld [smem:$0x3FFE];
	[sflag:s23] =	ssyncadd.s32 $0xFFFFFFFF  }
0xa5: {  	s26 =	simm.s32 $execute0_lowered;
	[smem:$0x3FD2] =	sst s25  }
0xa6: {  	s5 =	sshll.u32 s26, $0x1;
	_ =	strace $0x80000046;
	[dreg:$0x1] =	wrdreg $0xFFFFFFFF  }
0xa7: {  	s28 =	simm.s32 $_size_execute0_lowered;
	s3 =	sadd.s32 s3, s5;
	[dreg:$0x0] =	wrdreg $0x0  }
0xa8: {  	s5 =	sshll.u32 s28, $0x1;
	[dreg:$0x2] =	wrdreg s3  }
0xa9: {  	[dreg:$0x3] =	wrdreg s5  }
0xaa: {  	[dreg:$0x4] =	wrdreg $0xC0  }
0xab: {  	_ =	task [dreg:s7], $0x5FFFF  }
0xac: {  	[dreg:$0x1] =	wrdreg $0xFFFFFFFF  }
0xad: {  	[dreg:$0x0] =	wrdreg $0x60  }
0xae: {  	[dreg:$0x2] =	wrdreg s2  }
0xaf: {  	[dreg:$0x3] =	wrdreg s24  }
0xb0: {  	[dreg:$0x4] =	wrdreg $0x9  }
0xb1: {  	_ =	task.clear_ibuf [dreg:s7], $0x5FFFF;
	_ =	strace $0x90000046  }
0xb2: {  	s29 =	simm.s32 $0x9;
	_ =	strace $0x80000048  }
0xb3: {  	_ =	swait.ge [sflag:s29], $0x1  }
0xb4: {  	[sflag:s29] =	ssyncadd.s32 $0xFFFFFFFF  }
0xb5: {  	_ =	strace $0x90000048  }
0xb6: {  	_ =	sfence  }
0xb7: {  	s30 =	sld [smem:$0x0];
	_ =	sdelay $0x2  }
0xb8: {  	s31 =	sshll.u32 s1, $0xD;
	s1 =	sshrl.u32 s1, $0x2  }
0xb9: {  	s3 =	sand.u32 $0x4000, s31;
	s1 =	sadd.s32 s1, s30  }
0xba: {  	s0 =	sor.u32 s3, s0;
	s1 =	sshll.u32 s1, $0x11  }
0xbb: {  	s0 =	sor.u32 s1, s0  }
0xbc: {  	s0 =	sadd.s32 $0x8F2B, s0  }
0xbd: {  	[sflag:s0] =	ssyncadd.remote.s32 $0x1  }
0xbe: {  	_ =	sfence.sel $0xFFFF  }
0xbf: {  	[dreg:$0x0] =	wrdreg $0xFFFFFFFF;
	(pc) =	sbr.abs _section_cstart, $3  }
0xc0: {  	[dreg:$0x1] =	wrdreg $0xFFFFFFFF  }
0xc1: {  	_ =	task.clear_ibuf [dreg:s7], $0x2FFFF;
	_ =	strace $0x9FFFFFFF  }
0xc2: {  	(tm) =	ssettm $0x7FFFFFFF  }
0xc3: {  	_ =	shalt  }
tec
execute0_lowered:
.L_overlay_start_1:
0x0: {  	(tag) =	ssettag $0x1  }
0x1: {  	s0 =	srdreg.scid;
	s1 =	rddreg [dreg:$0x0]  }
0x2: {  	s2 =	stileid.u32;
	s5 =	rddreg [dreg:$0x1]  }
0x3: {  	s8 =	simm.s32 $0x2;
	s10 =	simm.s32 $0x880;
	s11 =	simm.s32 $0x1080  }
0x4: {  	s12 =	simm.s32 $0x1880;
	s13 =	simm.s32 $0x2080;
	s14 =	simm.s32 $0x2880  }
0x5: {  	s15 =	simm.s32 $0x3080;
	s16 =	simm.s32 $0x3880;
	s17 =	simm.s32 $0x4080  }
0x6: {  	s18 =	simm.s32 $0x4880;
	s19 =	simm.s32 $0x5080;
	s20 =	simm.s32 $0x5880  }
0x7: {  	s21 =	simm.s32 $0x6080;
	s22 =	simm.s32 $0x6880;
	s23 =	simm.s32 $0x7080  }
0x8: {  	s28 =	simm.s32 $0x9080;
	s29 =	simm.s32 $0x9880;
	s30 =	simm.s32 $0xA080  }
0x9: {  	s0 =	sand.u32 $0x1, s0;
	s3 =	sshll.u32 s2, $0x4;
	s2 =	simm.s32 $0x0  }
0xa: {  	s31 =	simm.s32 $0xA880;
	s4 =	sshll.u32 s0, $0x3;
	[smem:$0x7FF] =	sst s2  }
0xb: {  	s0 =	ssub.s32 $0x2, s0;
	s3 =	sor.u32 s4, s3;
	_ =	strace $0x80000047  }
0xc: {  	s24 =	sshrl.u32 s0, $0x1;
	s4 =	smul.u32 $0x300, s3;
	s6 =	sadd.s32 s3, s5  }
0xd: {  	s3 =	sadd.s32 $0x12E00, s5;
	s0 =	ssub.s32 s0, s24;
	s24 =	simm.s32 $0x7880  }
0xe: {  	s25 =	sadd.s32 $0x12A00, s6;
	s26 =	sadd.s32 $0x12C00, s6;
	s6 =	smax.u32 s0, $0x1  }
0xf: {  	v2 =	vlaneseq.u32;
	s1 =	sadd.s32 s1, s4;
	[dreg:$0x4] =	wrdreg s25;
	s4 =	sadd.s32 $0x12F00, s5  }
0x10: {  	vm0 =	vmmov $0xffff;
	v1 =	vshrl.u32 v2, $0x3;
	s5 =	sadd.s32 $0x13000, s5;
	[dreg:$0x5] =	wrdreg s26;
	s25 =	simm.s32 $0x8080  }
0x11: {  	v0 =	vand.u32 $0x7, v2;
	v2 =	vor.u32 $0x8, v2;
	v1 =	vmul.u32 $0x8, v1;
	s26 =	simm.s32 $0x8880;
	[dreg:$0x3] =	wrdreg s1;
	s1 =	simm.s32 $0x1  }
.LBB2_1:
0x12: {  	s9 =	rddreg [dreg:$0x3];
	s0 =	simm.s32 $0x80  }
0x13: {  	[tilespmem:s0], [sflag:$0x2] =	stream.linear.gather [hbm4b:s9+s2], $0xC000, $0x38;
	[tilespmem:$0xC080] =	vst v63  }
0x14: {  	_ =	swait.ge [sflag:s8], $0xC000  }
0x15: {  	[sflag:s8] =	ssyncset.done $0x0  }
0x16: {  	s7 =	rddreg [dreg:$0x4];
	[sflag:s8] =	ssyncadd.s32 $0xFFFF4000  }
0x17: {  	[tilespmem:s2], [sflag:$0x2] =	stream.linear.gather [hbm4b:s7+s2], $0x40, $0x38;
	[tilespmem:$0xC080] =	vst v63  }
0x18: {  	_ =	swait.ge [sflag:s8], $0x40  }
0x19: {  	[sflag:s8] =	ssyncset.done $0x0  }
0x1a: {  	[sflag:s8] =	ssyncadd.s32 $0xFFFFFFC0  }
0x1b: {  	v3 =	vld [tilespmem:$0x0];
	_ =	sdelay $0x4  }
0x1c: {  	v4 =	vshrl.u32 v3, $0x3  }
0x1d: {  	v4 =	vmul.u32 $0x30, v4  }
0x1e: {  	v3 =	vand.u32 $0x7, v3  }
0x1f: {  	v3 =	vor.u32 v3, v4  }
0x20: {  	v4 =	vperm.xlane v3, v0;
	_ =	sdelay $0x1  }
0x21: {  	v4 =	vadd.s32 v1, v4;
	_ =	sdelay $0x3  }
0x22: {  	v3 =	vperm.xlane v3, v2  }
0x23: {  	[hbm4b:s3+s2] =	stream.indirect_vreg.scatter [tilespmem:s0], [sflag:$0x1], $0x80, v4, vm0, $0xb8;
	[tilespmem:$0xC080] =	vst v63  }
0x24: {  	v3 =	vadd.s32 v1, v3  }
0x25: {  	[hbm4b:s4+s2] =	stream.indirect_vreg.scatter [tilespmem:s10], [sflag:$0x1], $0x80, v4, vm0, $0xb8;
	[tilespmem:$0xC080] =	vst v63  }
0x26: {  	_ = 	snop  }
0x27: {  	[hbm4b:s5+s2] =	stream.indirect_vreg.scatter [tilespmem:s11], [sflag:$0x1], $0x80, v4, vm0, $0xb8;
	[tilespmem:$0xC080] =	vst v63  }
0x28: {  	_ = 	snop  }
0x29: {  	[hbm4b:s3+s2] =	stream.indirect_vreg.scatter [tilespmem:s12], [sflag:$0x1], $0x80, v3, vm0, $0xb8;
	[tilespmem:$0xC080] =	vst v63  }
0x2a: {  	_ = 	snop  }
0x2b: {  	[hbm4b:s4+s2] =	stream.indirect_vreg.scatter [tilespmem:s13], [sflag:$0x1], $0x80, v3, vm0, $0xb8;
	[tilespmem:$0xC080] =	vst v63  }
0x2c: {  	_ = 	snop  }
0x2d: {  	[hbm4b:s5+s2] =	stream.indirect_vreg.scatter [tilespmem:s14], [sflag:$0x1], $0x80, v3, vm0, $0xb8;
	[tilespmem:$0xC080] =	vst v63  }
0x2e: {  	v3 =	vld [tilespmem:$0x10];
	_ =	sdelay $0x4  }
0x2f: {  	v57 =	vshrl.u32 v3, $0x3  }
0x30: {  	v4 =	vmul.u32 $0x30, v57  }
0x31: {  	v3 =	vand.u32 $0x7, v3  }
0x32: {  	v3 =	vor.u32 v3, v4  }
0x33: {  	v4 =	vperm.xlane v3, v0;
	_ =	sdelay $0x1  }
0x34: {  	v4 =	vadd.s32 v1, v4;
	_ =	sdelay $0x3  }
0x35: {  	v3 =	vperm.xlane v3, v2  }
0x36: {  	[hbm4b:s3+s2] =	stream.indirect_vreg.scatter [tilespmem:s15], [sflag:$0x1], $0x80, v4, vm0, $0xb8;
	[tilespmem:$0xC080] =	vst v63  }
0x37: {  	v3 =	vadd.s32 v1, v3  }
0x38: {  	[hbm4b:s4+s2] =	stream.indirect_vreg.scatter [tilespmem:s16], [sflag:$0x1], $0x80, v4, vm0, $0xb8;
	[tilespmem:$0xC080] =	vst v63  }
0x39: {  	_ = 	snop  }
0x3a: {  	[hbm4b:s5+s2] =	stream.indirect_vreg.scatter [tilespmem:s17], [sflag:$0x1], $0x80, v4, vm0, $0xb8;
	[tilespmem:$0xC080] =	vst v63  }
0x3b: {  	_ = 	snop  }
0x3c: {  	[hbm4b:s3+s2] =	stream.indirect_vreg.scatter [tilespmem:s18], [sflag:$0x1], $0x80, v3, vm0, $0xb8;
	[tilespmem:$0xC080] =	vst v63  }
0x3d: {  	_ = 	snop  }
0x3e: {  	[hbm4b:s4+s2] =	stream.indirect_vreg.scatter [tilespmem:s19], [sflag:$0x1], $0x80, v3, vm0, $0xb8;
	[tilespmem:$0xC080] =	vst v63  }
0x3f: {  	_ = 	snop  }
0x40: {  	[hbm4b:s5+s2] =	stream.indirect_vreg.scatter [tilespmem:s20], [sflag:$0x1], $0x80, v3, vm0, $0xb8;
	[tilespmem:$0xC080] =	vst v63  }
0x41: {  	v3 =	vld [tilespmem:$0x20];
	_ =	sdelay $0x4  }
0x42: {  	v58 =	vshrl.u32 v3, $0x3  }
0x43: {  	v4 =	vmul.u32 $0x30, v58  }
0x44: {  	v3 =	vand.u32 $0x7, v3  }
0x45: {  	v3 =	vor.u32 v3, v4  }
0x46: {  	v4 =	vperm.xlane v3, v0;
	_ =	sdelay $0x1  }
0x47: {  	v4 =	vadd.s32 v1, v4;
	_ =	sdelay $0x3  }
0x48: {  	v3 =	vperm.xlane v3, v2  }
0x49: {  	[hbm4b:s3+s2] =	stream.indirect_vreg.scatter [tilespmem:s21], [sflag:$0x1], $0x80, v4, vm0, $0xb8;
	[tilespmem:$0xC080] =	vst v63  }
0x4a: {  	v3 =	vadd.s32 v1, v3  }
0x4b: {  	[hbm4b:s4+s2] =	stream.indirect_vreg.scatter [tilespmem:s22], [sflag:$0x1], $0x80, v4, vm0, $0xb8;
	[tilespmem:$0xC080] =	vst v63  }
0x4c: {  	_ = 	snop  }
0x4d: {  	[hbm4b:s5+s2] =	stream.indirect_vreg.scatter [tilespmem:s23], [sflag:$0x1], $0x80, v4, vm0, $0xb8;
	[tilespmem:$0xC080] =	vst v63  }
0x4e: {  	_ = 	snop  }
0x4f: {  	[hbm4b:s3+s2] =	stream.indirect_vreg.scatter [tilespmem:s24], [sflag:$0x1], $0x80, v3, vm0, $0xb8;
	[tilespmem:$0xC080] =	vst v63  }
0x50: {  	_ = 	snop  }
0x51: {  	[hbm4b:s4+s2] =	stream.indirect_vreg.scatter [tilespmem:s25], [sflag:$0x1], $0x80, v3, vm0, $0xb8;
	[tilespmem:$0xC080] =	vst v63  }
0x52: {  	_ = 	snop  }
0x53: {  	[hbm4b:s5+s2] =	stream.indirect_vreg.scatter [tilespmem:s26], [sflag:$0x1], $0x80, v3, vm0, $0xb8;
	[tilespmem:$0xC080] =	vst v63  }
0x54: {  	v3 =	vld [tilespmem:$0x30];
	_ =	sdelay $0x4  }
0x55: {  	v59 =	vshrl.u32 v3, $0x3  }
0x56: {  	v4 =	vmul.u32 $0x30, v59  }
0x57: {  	v3 =	vand.u32 $0x7, v3  }
0x58: {  	v3 =	vor.u32 v3, v4  }
0x59: {  	v4 =	vperm.xlane v3, v0;
	_ =	sdelay $0x1  }
0x5a: {  	v4 =	vadd.s32 v1, v4;
	_ =	sdelay $0x3  }
0x5b: {  	v3 =	vperm.xlane v3, v2  }
0x5c: {  	[hbm4b:s3+s2] =	stream.indirect_vreg.scatter [tilespmem:s28], [sflag:$0x1], $0x80, v4, vm0, $0xb8;
	[tilespmem:$0xC080] =	vst v63  }
0x5d: {  	v3 =	vadd.s32 v1, v3  }
0x5e: {  	[hbm4b:s4+s2] =	stream.indirect_vreg.scatter [tilespmem:s29], [sflag:$0x1], $0x80, v4, vm0, $0xb8;
	[tilespmem:$0xC080] =	vst v63  }
0x5f: {  	_ = 	snop  }
0x60: {  	[hbm4b:s5+s2] =	stream.indirect_vreg.scatter [tilespmem:s30], [sflag:$0x1], $0x80, v4, vm0, $0xb8;
	[tilespmem:$0xC080] =	vst v63  }
0x61: {  	_ = 	snop  }
0x62: {  	[hbm4b:s3+s2] =	stream.indirect_vreg.scatter [tilespmem:s31], [sflag:$0x1], $0x80, v3, vm0, $0xb8;
	[tilespmem:$0xC080] =	vst v63  }
0x63: {  	s7 =	simm.s32 $0xB080  }
0x64: {  	[hbm4b:s4+s2] =	stream.indirect_vreg.scatter [tilespmem:s7], [sflag:$0x1], $0x80, v3, vm0, $0xb8;
	[tilespmem:$0xC080] =	vst v63  }
0x65: {  	s7 =	simm.s32 $0xB880  }
0x66: {  	[hbm4b:s5+s2] =	stream.indirect_vreg.scatter [tilespmem:s7], [sflag:$0x1], $0x80, v3, vm0, $0xb8;
	[tilespmem:$0xC080] =	vst v63  }
0x67: {  	_ =	swait.ge [sflag:s1], $0xC000  }
0x68: {  	[sflag:s1] =	ssyncset.done $0x0  }
0x69: {  	s9 =	rddreg [dreg:$0x5];
	[sflag:s1] =	ssyncadd.s32 $0xFFFF4000  }
0x6a: {  	[tilespmem:s2], [sflag:$0x2] =	stream.linear.gather [hbm4b:s9+s2], $0x40, $0x38;
	[tilespmem:$0xC080] =	vst v63  }
0x6b: {  	_ =	swait.ge [sflag:s8], $0x40  }
0x6c: {  	[sflag:s8] =	ssyncset.done $0x0  }
0x6d: {  	[sflag:s8] =	ssyncadd.s32 $0xFFFFFFC0  }
0x6e: {  	v3 =	vld [tilespmem:$0x0];
	_ =	sdelay $0x4  }
0x6f: {  	v60 =	vshrl.u32 v3, $0x3  }
0x70: {  	v4 =	vmul.u32 $0x30, v60  }
0x71: {  	v3 =	vand.u32 $0x7, v3  }
0x72: {  	v3 =	vor.u32 v3, v4  }
0x73: {  	v4 =	vperm.xlane v3, v0;
	_ =	sdelay $0x1  }
0x74: {  	v4 =	vadd.s32 v1, v4;
	_ =	sdelay $0x3  }
0x75: {  	v3 =	vperm.xlane v3, v2  }
0x76: {  	[hbm4b:s3+s2] =	stream.indirect_vreg.scatter [tilespmem:s0], [sflag:$0x1], $0x80, v4, vm0, $0xb8;
	[tilespmem:$0xC080] =	vst v63  }
0x77: {  	v3 =	vadd.s32 v1, v3  }
0x78: {  	[hbm4b:s4+s2] =	stream.indirect_vreg.scatter [tilespmem:s10], [sflag:$0x1], $0x80, v4, vm0, $0xb8;
	[tilespmem:$0xC080] =	vst v63  }
0x79: {  	_ = 	snop  }
0x7a: {  	[hbm4b:s5+s2] =	stream.indirect_vreg.scatter [tilespmem:s11], [sflag:$0x1], $0x80, v4, vm0, $0xb8;
	[tilespmem:$0xC080] =	vst v63  }
0x7b: {  	_ = 	snop  }
0x7c: {  	[hbm4b:s3+s2] =	stream.indirect_vreg.scatter [tilespmem:s12], [sflag:$0x1], $0x80, v3, vm0, $0xb8;
	[tilespmem:$0xC080] =	vst v63  }
0x7d: {  	_ = 	snop  }
0x7e: {  	[hbm4b:s4+s2] =	stream.indirect_vreg.scatter [tilespmem:s13], [sflag:$0x1], $0x80, v3, vm0, $0xb8;
	[tilespmem:$0xC080] =	vst v63  }
0x7f: {  	_ = 	snop  }
0x80: {  	[hbm4b:s5+s2] =	stream.indirect_vreg.scatter [tilespmem:s14], [sflag:$0x1], $0x80, v3, vm0, $0xb8;
	[tilespmem:$0xC080] =	vst v63  }
0x81: {  	v3 =	vld [tilespmem:$0x10];
	_ =	sdelay $0x4  }
0x82: {  	v61 =	vshrl.u32 v3, $0x3  }
0x83: {  	v4 =	vmul.u32 $0x30, v61  }
0x84: {  	v3 =	vand.u32 $0x7, v3  }
0x85: {  	v3 =	vor.u32 v3, v4  }
0x86: {  	v4 =	vperm.xlane v3, v0;
	_ =	sdelay $0x1  }
0x87: {  	v4 =	vadd.s32 v1, v4;
	_ =	sdelay $0x3  }
0x88: {  	v3 =	vperm.xlane v3, v2  }
0x89: {  	[hbm4b:s3+s2] =	stream.indirect_vreg.scatter [tilespmem:s15], [sflag:$0x1], $0x80, v4, vm0, $0xb8;
	[tilespmem:$0xC080] =	vst v63  }
0x8a: {  	v3 =	vadd.s32 v1, v3  }
0x8b: {  	[hbm4b:s4+s2] =	stream.indirect_vreg.scatter [tilespmem:s16], [sflag:$0x1], $0x80, v4, vm0, $0xb8;
	[tilespmem:$0xC080] =	vst v63  }
0x8c: {  	_ = 	snop  }
0x8d: {  	[hbm4b:s5+s2] =	stream.indirect_vreg.scatter [tilespmem:s17], [sflag:$0x1], $0x80, v4, vm0, $0xb8;
	[tilespmem:$0xC080] =	vst v63  }
0x8e: {  	_ = 	snop  }
0x8f: {  	[hbm4b:s3+s2] =	stream.indirect_vreg.scatter [tilespmem:s18], [sflag:$0x1], $0x80, v3, vm0, $0xb8;
	[tilespmem:$0xC080] =	vst v63  }
0x90: {  	_ = 	snop  }
0x91: {  	[hbm4b:s4+s2] =	stream.indirect_vreg.scatter [tilespmem:s19], [sflag:$0x1], $0x80, v3, vm0, $0xb8;
	[tilespmem:$0xC080] =	vst v63  }
0x92: {  	_ = 	snop  }
0x93: {  	[hbm4b:s5+s2] =	stream.indirect_vreg.scatter [tilespmem:s20], [sflag:$0x1], $0x80, v3, vm0, $0xb8;
	[tilespmem:$0xC080] =	vst v63  }
0x94: {  	v3 =	vld [tilespmem:$0x20];
	_ =	sdelay $0x4  }
0x95: {  	v62 =	vshrl.u32 v3, $0x3  }
0x96: {  	v4 =	vmul.u32 $0x30, v62  }
0x97: {  	v3 =	vand.u32 $0x7, v3  }
0x98: {  	v3 =	vor.u32 v3, v4  }
0x99: {  	v4 =	vperm.xlane v3, v0;
	_ =	sdelay $0x1  }
0x9a: {  	v4 =	vadd.s32 v1, v4;
	_ =	sdelay $0x3  }
0x9b: {  	v3 =	vperm.xlane v3, v2  }
0x9c: {  	[hbm4b:s3+s2] =	stream.indirect_vreg.scatter [tilespmem:s21], [sflag:$0x1], $0x80, v4, vm0, $0xb8;
	[tilespmem:$0xC080] =	vst v63  }
0x9d: {  	v3 =	vadd.s32 v1, v3  }
0x9e: {  	[hbm4b:s4+s2] =	stream.indirect_vreg.scatter [tilespmem:s22], [sflag:$0x1], $0x80, v4, vm0, $0xb8;
	[tilespmem:$0xC080] =	vst v63  }
0x9f: {  	_ = 	snop  }
0xa0: {  	[hbm4b:s5+s2] =	stream.indirect_vreg.scatter [tilespmem:s23], [sflag:$0x1], $0x80, v4, vm0, $0xb8;
	[tilespmem:$0xC080] =	vst v63  }
0xa1: {  	_ = 	snop  }
0xa2: {  	[hbm4b:s3+s2] =	stream.indirect_vreg.scatter [tilespmem:s24], [sflag:$0x1], $0x80, v3, vm0, $0xb8;
	[tilespmem:$0xC080] =	vst v63  }
0xa3: {  	_ = 	snop  }
0xa4: {  	[hbm4b:s4+s2] =	stream.indirect_vreg.scatter [tilespmem:s25], [sflag:$0x1], $0x80, v3, vm0, $0xb8;
	[tilespmem:$0xC080] =	vst v63  }
0xa5: {  	_ = 	snop  }
0xa6: {  	[hbm4b:s5+s2] =	stream.indirect_vreg.scatter [tilespmem:s26], [sflag:$0x1], $0x80, v3, vm0, $0xb8;
	[tilespmem:$0xC080] =	vst v63  }
0xa7: {  	v3 =	vld [tilespmem:$0x30];
	_ =	sdelay $0x4  }
0xa8: {  	v63 =	vshrl.u32 v3, $0x3  }
0xa9: {  	v4 =	vmul.u32 $0x30, v63  }
0xaa: {  	v3 =	vand.u32 $0x7, v3  }
0xab: {  	v3 =	vor.u32 v3, v4  }
0xac: {  	v4 =	vperm.xlane v3, v0;
	_ =	sdelay $0x1  }
0xad: {  	v4 =	vadd.s32 v1, v4;
	_ =	sdelay $0x3  }
0xae: {  	v3 =	vperm.xlane v3, v2  }
0xaf: {  	[hbm4b:s3+s2] =	stream.indirect_vreg.scatter [tilespmem:s28], [sflag:$0x1], $0x80, v4, vm0, $0xb8;
	[tilespmem:$0xC080] =	vst v63  }
0xb0: {  	v3 =	vadd.s32 v1, v3  }
0xb1: {  	[hbm4b:s4+s2] =	stream.indirect_vreg.scatter [tilespmem:s29], [sflag:$0x1], $0x80, v4, vm0, $0xb8;
	[tilespmem:$0xC080] =	vst v63  }
0xb2: {  	_ = 	snop  }
0xb3: {  	[hbm4b:s5+s2] =	stream.indirect_vreg.scatter [tilespmem:s30], [sflag:$0x1], $0x80, v4, vm0, $0xb8;
	[tilespmem:$0xC080] =	vst v63  }
0xb4: {  	_ = 	snop  }
0xb5: {  	[hbm4b:s3+s2] =	stream.indirect_vreg.scatter [tilespmem:s31], [sflag:$0x1], $0x80, v3, vm0, $0xb8;
	[tilespmem:$0xC080] =	vst v63  }
0xb6: {  	p0 =	sne.s32 s6, $0x1;
	s9 =	simm.s32 $0xB080  }
0xb7: {  	[hbm4b:s4+s2] =	stream.indirect_vreg.scatter [tilespmem:s9], [sflag:$0x1], $0x80, v3, vm0, $0xb8;
	[tilespmem:$0xC080] =	vst v63  }
.Ltmp0:
0xb8: {  	_ = 	snop;
	(pc) =	sbr.rel @p0 .LBB2_1-.Ltmp0, $4  }
0xb9: {  	[hbm4b:s5+s2] =	stream.indirect_vreg.scatter [tilespmem:s7], [sflag:$0x1], $0x80, v3, vm0, $0xb8;
	[tilespmem:$0xC080] =	vst v63  }
0xba: {  	_ =	swait.ge [sflag:s1], $0xC000  }
0xbb: {  	[sflag:s1] =	ssyncset.done $0x0  }
0xbc: {  	s6 =	sadd.s32 $0xFFFFFFFF, s6;
	[sflag:s1] =	ssyncadd.s32 $0xFFFF4000  }
0xbd: {  	_ =	sfence.sel $0x180000  }
0xbe: {  	[bflag:$0x0] =	sbarrier.arrive $0xFFFF  }
0xbf: {  	_ =	strace $0x90000047  }
0xc0: {  	s0 =	stileid.u32;
	[bflag:$0x2] =	sbarrier.arrive $0xFFFF  }
0xc1: {  	p0 =	sne.s32 s0, $0x0;
	s0 =	rddreg [dreg:$0x2]  }
0xc2: {  	s0 =	sadd.s32 @!p0 $0x100000, s0  }
0xc3: {  	[sflag:s0] =	ssyncadd.tile.s32 @!p0 $0x1;
	_ =	shalt  }
.Lfunc_end2:
_tile_overlayer_lowered:
.L_overlay_start_2:
0xc4: {  	(tag) =	ssettag $0x2  }
0xc5: {  	s0 =	rddreg [dreg:$0x0];
	s2 =	stileid.u32  }
0xc6: {  	s1 =	rddreg [dreg:$0x1];
	p0 =	sne.s32 s2, $0x0  }
0xc7: {  	s3 =	rddreg [dreg:$0x2];
	[bflag:$0x3] =	sbarrier.arrive $0xFFFF;
	s2 =	simm.s32 @!p0 $0x1C02  }
0xc8: {  	[timem:s3], [sflag:s2] =	dma.local @!p0 [hbm:s0], s1  }
0xc9: {  	s0 =	simm.s32 @!p0 $0x2  }
0xca: {  	_ =	swait.ge @!p0 [sflag:s0], s1  }
0xcb: {  	s1 =	ssub.s32 @!p0 $0x0, s1;
	[sflag:s0] =	ssyncset.done @!p0 $0x0  }
0xcc: {  	[sflag:s0] =	ssyncadd.s32 @!p0 s1  }
0xcd: {  	[bflag:$0x3] =	sbarrier.arrive $0xFFFF  }
0xce: {  	_ =	shalt  }

</sc_bundles>
